<compile_context>
chip_gen: v7x
topology: tpu7x:2x2x1
jax: 0.10.2.dev20260603
libtpu: 0.0.44.dev20260713+nightly
codegen_flags: <defaults>
</compile_context>

<pallas_src>
import functools

import jax
import jax.numpy as jnp
from jax import lax
from jax.experimental import pallas as pl
from jax.experimental.pallas import tpu as pltpu
from jax.experimental.pallas import tpu_sc as plsc

VOCAB = 1000
D = 4
DP = 16
NC = 2
NS = 16
NW = NC * NS
CHUNK = 128
TP = 56
CH = 4096
BB2 = 32


def _sc_gather(table_p, ids3, btot):
    n_chunks = ids3.shape[1]
    per_w = n_chunks * CHUNK
    mesh = plsc.VectorSubcoreMesh(core_axis_name="c", subcore_axis_name="s")

    @functools.partial(
        pl.kernel,
        mesh=mesh,
        out_type=jax.ShapeDtypeStruct((btot, DP), jnp.float32),
        scratch_types=[
            pltpu.VMEM((n_chunks, CHUNK), jnp.int32),
            pltpu.VMEM((per_w, DP), jnp.float32),
            pltpu.SemaphoreType.DMA,
        ],
        compiler_params=pltpu.CompilerParams(use_tc_tiling_on_sc=False),
    )
    def k(table_hbm, ids_hbm, out_hbm, idx_v, rows_v, sem):
        wid = lax.axis_index("s") * NC + lax.axis_index("c")
        pltpu.sync_copy(ids_hbm.at[wid], idx_v)

        def body(j, carry):
            pltpu.async_copy(
                table_hbm.at[idx_v.at[j]], rows_v.at[pl.ds(j * CHUNK, CHUNK)], sem
            ).wait()
            return carry

        lax.fori_loop(0, n_chunks, body, 0)
        pltpu.sync_copy(rows_v, out_hbm.at[pl.ds(wid * per_w, per_w)])

    return k(table_p, ids3)


VP = 1024


def _tc_mm_chunk(h, head_t, k, t):
    grid_n = CH // BB2

    def body(h_ref, w_ref, o_ref):
        w = w_ref[...]
        for bb in range(BB2):
            o_ref[bb, :t, :] = lax.dot_general(
                h_ref[pl.ds(bb * t, t), :], w,
                (((1,), (0,)), ((), ())),
                preferred_element_type=jnp.float32,
            )

    return pl.pallas_call(
        body,
        grid=(grid_n,),
        in_specs=[
            pl.BlockSpec((BB2 * t, DP), lambda i, k=k: (k * grid_n + i, 0)),
            pl.BlockSpec((DP, VP), lambda i: (0, 0)),
        ],
        out_specs=pl.BlockSpec((BB2, TP, VP), lambda i: (i, 0, 0)),
        out_shape=jax.ShapeDtypeStruct((CH, TP, VP), jnp.float32),
    )(h, head_t)


def kernel(input_ids, emb_weight, head_weight):
    b, t = input_ids.shape
    btot = b * t
    ids3 = input_ids.astype(jnp.int32).reshape(NW, btot // (NW * CHUNK), CHUNK)
    emb_p = jnp.pad(emb_weight, ((0, 0), (0, DP - D)))
    head_t = jnp.pad(jnp.pad(head_weight, ((0, 0), (0, DP - D))).T,
                     ((0, 0), (0, VP - VOCAB)))
    h = _sc_gather(emb_p, ids3, btot)
    pk = _tc_mm_chunk(h, head_t, 0, t)
    return pk[:, :t, :VOCAB]

# --- scband reference (transcript-rebuilt; emitter-appended) ---
"""Pipeline reference for scband-tiny-lm-16484084483197 (READ-ONLY COPY).

The authoritative reference and input builder live on the scoring server;
editing this copy changes nothing except your own understanding.
"""

import jax, jax.numpy as jnp
import numpy as np

VOCAB = 1000
D = 4
B = 4096
T = 50

def setup_inputs(seed: int = 0) -> dict:
    key = jax.random.key(seed)
    k1, k2, k3 = jax.random.split(key, 3)
    input_ids = jax.random.randint(k1, (B, T), 0, VOCAB, dtype=jnp.int64 if jax.config.jax_enable_x64 else jnp.int32)
    emb_weight = jax.random.normal(k2, (VOCAB, D), dtype=jnp.float32)
    head_weight = jax.random.normal(k3, (VOCAB, D), dtype=jnp.float32) * 0.5
    return {"input_ids": input_ids, "emb_weight": emb_weight, "head_weight": head_weight}

def reference(input_ids, emb_weight, head_weight):
    # h = emb(input_ids): gather rows from embedding table
    h = jnp.take(emb_weight, input_ids, axis=0)  # [B, T, D]
    # logits = head(h): Linear(D, V, bias=False) => h @ W.T with W [V, D]
    logits = h @ head_weight.T  # [B, T, V]
    return logits

if __name__ == "__main__":
    import jax
    _d = setup_inputs()
    print(jax.jit(kernel)(*tuple(_d.values())))

</pallas_src>

<mosaic_0001>
#map = affine_map<(d0, d1) -> (0, 0)>
#map1 = affine_map<(d0, d1) -> (0, 0, 0)>
module attributes {stable_mosaic.version = 14 : i64} {
  func.func @k(%arg0: i32, %arg1: i32, %arg2: memref<1000x16xf32, #tpu.memory_space<hbm>>, %arg3: memref<32x50x128xi32, #tpu.memory_space<hbm>>, %arg4: memref<204800x16xf32, #tpu.memory_space<hbm>>, %arg5: memref<50x128xi32, #tpu.memory_space<vmem>>, %arg6: memref<6400x16xf32, #tpu.memory_space<vmem>>, %arg7: memref<!tpu.dma_semaphore, #tpu.memory_space<semaphore_mem>>) attributes {dimension_semantics = [#tpu.dimension_semantics<core_parallel>, #tpu.dimension_semantics<subcore_parallel>], iteration_bounds = array<i64: 2, 16>, scalar_prefetch = 0 : i64, scratch_operands = 3 : i64, tpu.core_type = #tpu.core_type<sc_vector_subcore>, window_params = [{transform_indices = #map}, {transform_indices = #map1}, {transform_indices = #map}]} {
    %mul3A = arith.constant 2 : i32
    %mul3A_0 = arith.muli %arg1, %mul3A : i32
    %add3A = arith.addi %mul3A_0, %arg0 : i32
    "tpu.region"() ({
      %run_scoped3A = tpu.sem_alloc : memref<!tpu.dma_semaphore, #tpu.memory_space<semaphore_mem>>
      %dma_start3A = arith.constant 0 : i32
      %dma_start3A_8 = arith.constant 0 : i32
      %dma_start3A_9 = tpu.memref_slice %arg3[%add3A, %dma_start3A, %dma_start3A_8] : memref<32x50x128xi32, #tpu.memory_space<hbm>> -> memref<1x50x128xi32, #tpu.memory_space<hbm>>
      %dma_start3A_10 = tpu.memref_squeeze %dma_start3A_9 : memref<1x50x128xi32, #tpu.memory_space<hbm>> -> memref<50x128xi32, #tpu.memory_space<hbm>>
      %dma_start3A_11 = arith.constant 0 : i32
      %dma_start3A_12 = arith.constant 0 : i32
      %dma_start3A_13 = tpu.memref_slice %arg3[%add3A, %dma_start3A_11, %dma_start3A_12] : memref<32x50x128xi32, #tpu.memory_space<hbm>> -> memref<1x50x128xi32, #tpu.memory_space<hbm>>
      %dma_start3A_14 = tpu.memref_squeeze %dma_start3A_13 : memref<1x50x128xi32, #tpu.memory_space<hbm>> -> memref<50x128xi32, #tpu.memory_space<hbm>>
      tpu.enqueue_dma source(%dma_start3A_14 : memref<50x128xi32, #tpu.memory_space<hbm>>) target(%arg5 : memref<50x128xi32, #tpu.memory_space<vmem>>) target_semaphore(%run_scoped3A : memref<!tpu.dma_semaphore, #tpu.memory_space<semaphore_mem>>)
      %dma_wait3A = arith.constant 0 : i32
      %dma_wait3A_15 = arith.constant 0 : i32
      %dma_wait3A_16 = tpu.memref_slice %arg3[%add3A, %dma_wait3A, %dma_wait3A_15] : memref<32x50x128xi32, #tpu.memory_space<hbm>> -> memref<1x50x128xi32, #tpu.memory_space<hbm>>
      %dma_wait3A_17 = tpu.memref_squeeze %dma_wait3A_16 : memref<1x50x128xi32, #tpu.memory_space<hbm>> -> memref<50x128xi32, #tpu.memory_space<hbm>>
      %dma_wait3A_18 = arith.constant 0 : i32
      %dma_wait3A_19 = arith.constant 0 : i32
      %dma_wait3A_20 = tpu.memref_slice %arg3[%add3A, %dma_wait3A_18, %dma_wait3A_19] : memref<32x50x128xi32, #tpu.memory_space<hbm>> -> memref<1x50x128xi32, #tpu.memory_space<hbm>>
      %dma_wait3A_21 = tpu.memref_squeeze %dma_wait3A_20 : memref<1x50x128xi32, #tpu.memory_space<hbm>> -> memref<50x128xi32, #tpu.memory_space<hbm>>
      tpu.wait_dma2 semaphore(%run_scoped3A : memref<!tpu.dma_semaphore, #tpu.memory_space<semaphore_mem>>) src(%dma_wait3A_21 : memref<50x128xi32, #tpu.memory_space<hbm>>) dst(%arg5 : memref<50x128xi32, #tpu.memory_space<vmem>>)
      tpu.yield
    }) : () -> ()
    %scan3A = arith.constant 0 : i32
    %scan3A_1 = arith.constant 0 : i32
    %scan3A_2 = arith.constant 50 : i32
    %scan3A_3 = arith.addi %scan3A_1, %scan3A_2 : i32
    %scan3A_4 = arith.constant 1 : i32
    scf.for %scan3A_8 = %scan3A_1 to %scan3A_3 step %scan3A_4  : i32 {
      %mul3A_9 = arith.constant 128 : i32
      %mul3A_10 = arith.muli %scan3A_8, %mul3A_9 : i32
      %dma_start3A = arith.constant 0 : i32
      %dma_start3A_11 = tpu.memref_slice %arg6[%mul3A_10, %dma_start3A] : memref<6400x16xf32, #tpu.memory_space<vmem>> -> memref<128x16xf32, #tpu.memory_space<vmem>>
      %dma_start3A_12 = arith.constant 0 : i32
      %dma_start3A_13 = tpu.memref_slice %arg5[%scan3A_8, %dma_start3A_12] : memref<50x128xi32, #tpu.memory_space<vmem>> -> memref<1x128xi32, #tpu.memory_space<vmem>>
      %dma_start3A_14 = tpu.memref_squeeze %dma_start3A_13 : memref<1x128xi32, #tpu.memory_space<vmem>> -> memref<128xi32, #tpu.memory_space<vmem>>
      %dma_start3A_15 = arith.constant 0 : i32
      %dma_start3A_16 = arith.constant 0 : i32
      %dma_start3A_17 = tpu.memref_slice %arg2[%dma_start3A_15, %dma_start3A_16] : memref<1000x16xf32, #tpu.memory_space<hbm>> -> memref<1000x16xf32, #tpu.memory_space<hbm>>
      tpu.enqueue_indirect_dma source(%dma_start3A_17 : memref<1000x16xf32, #tpu.memory_space<hbm>>) target(%dma_start3A_11 : memref<128x16xf32, #tpu.memory_space<vmem>>) offsets(%dma_start3A_14 : memref<128xi32, #tpu.memory_space<vmem>>) semaphore(%arg7 : memref<!tpu.dma_semaphore, #tpu.memory_space<semaphore_mem>>)
      %dma_wait3A = arith.constant 0 : i32
      %dma_wait3A_18 = tpu.memref_slice %arg6[%mul3A_10, %dma_wait3A] : memref<6400x16xf32, #tpu.memory_space<vmem>> -> memref<128x16xf32, #tpu.memory_space<vmem>>
      %dma_wait3A_19 = arith.constant 0 : i32
      %dma_wait3A_20 = tpu.memref_slice %arg5[%scan3A_8, %dma_wait3A_19] : memref<50x128xi32, #tpu.memory_space<vmem>> -> memref<1x128xi32, #tpu.memory_space<vmem>>
      %dma_wait3A_21 = tpu.memref_squeeze %dma_wait3A_20 : memref<1x128xi32, #tpu.memory_space<vmem>> -> memref<128xi32, #tpu.memory_space<vmem>>
      %dma_wait3A_22 = arith.constant 0 : i32
      %dma_wait3A_23 = arith.constant 0 : i32
      %dma_wait3A_24 = tpu.memref_slice %arg2[%dma_wait3A_22, %dma_wait3A_23] : memref<1000x16xf32, #tpu.memory_space<hbm>> -> memref<1000x16xf32, #tpu.memory_space<hbm>>
      tpu.wait_indirect_dma semaphore(%arg7 : memref<!tpu.dma_semaphore, #tpu.memory_space<semaphore_mem>>) src(%dma_wait3A_24 : memref<1000x16xf32, #tpu.memory_space<hbm>>) dst(%dma_wait3A_18 : memref<128x16xf32, #tpu.memory_space<vmem>>)
    }
    %scan3A_5 = arith.constant 50 : i32
    %mul3A_6 = arith.constant 6400 : i32
    %mul3A_7 = arith.muli %add3A, %mul3A_6 : i32
    "tpu.region"() ({
      %run_scoped3A = tpu.sem_alloc : memref<!tpu.dma_semaphore, #tpu.memory_space<semaphore_mem>>
      %dma_start3A = arith.constant 0 : i32
      %dma_start3A_8 = tpu.memref_slice %arg4[%mul3A_7, %dma_start3A] : memref<204800x16xf32, #tpu.memory_space<hbm>> -> memref<6400x16xf32, #tpu.memory_space<hbm>>
      %dma_start3A_9 = arith.constant 0 : i32
      %dma_start3A_10 = tpu.memref_slice %arg4[%mul3A_7, %dma_start3A_9] : memref<204800x16xf32, #tpu.memory_space<hbm>> -> memref<6400x16xf32, #tpu.memory_space<hbm>>
      tpu.enqueue_dma source(%arg6 : memref<6400x16xf32, #tpu.memory_space<vmem>>) target(%dma_start3A_10 : memref<6400x16xf32, #tpu.memory_space<hbm>>) target_semaphore(%run_scoped3A : memref<!tpu.dma_semaphore, #tpu.memory_space<semaphore_mem>>)
      %dma_wait3A = arith.constant 0 : i32
      %dma_wait3A_11 = tpu.memref_slice %arg4[%mul3A_7, %dma_wait3A] : memref<204800x16xf32, #tpu.memory_space<hbm>> -> memref<6400x16xf32, #tpu.memory_space<hbm>>
      %dma_wait3A_12 = arith.constant 0 : i32
      %dma_wait3A_13 = tpu.memref_slice %arg4[%mul3A_7, %dma_wait3A_12] : memref<204800x16xf32, #tpu.memory_space<hbm>> -> memref<6400x16xf32, #tpu.memory_space<hbm>>
      tpu.wait_dma2 semaphore(%run_scoped3A : memref<!tpu.dma_semaphore, #tpu.memory_space<semaphore_mem>>) src(%arg6 : memref<6400x16xf32, #tpu.memory_space<vmem>>) dst(%dma_wait3A_13 : memref<6400x16xf32, #tpu.memory_space<hbm>>)
      tpu.yield
    }) : () -> ()
    return
  }
}

module attributes {stable_mosaic.version = 14 : i64} {
  func.func @body(%arg0: i32, %arg1: memref<1600x16xf32, #tpu.memory_space<vmem>>, %arg2: memref<16x1024xf32, #tpu.memory_space<vmem>>, %arg3: memref<32x56x1024xf32, #tpu.memory_space<vmem>>) attributes {dimension_semantics = [#tpu.dimension_semantics<arbitrary>], iteration_bounds = array<i64: 128>, scalar_prefetch = 0 : i64, scratch_operands = 0 : i64, tpu.core_type = #tpu.core_type<tc>, window_params = [{transform_indices = @transform_0, window_bounds = array<i64: 1600, 16>}, {pipeline_mode = #tpu.pipeline_mode<synchronous>, transform_indices = @transform_1, window_bounds = array<i64: 16, 1024>}, {transform_indices = @transform_2, window_bounds = array<i64: 32, 56, 1024>}]} {
    %get3A = arith.constant 0 : index
    %get3A_0 = arith.constant 0 : index
    %get3A_1 = vector.load %arg2[%get3A, %get3A_0] : memref<16x1024xf32, #tpu.memory_space<vmem>>, vector<16x1024xf32>
    %get3A_2 = arith.constant 0 : index
    %get3A_3 = arith.constant 0 : index
    %get3A_4 = vector.load %arg1[%get3A_2, %get3A_3] : memref<1600x16xf32, #tpu.memory_space<vmem>>, vector<50x16xf32>
    %dot_general3A = arith.constant dense<0.000000e+00> : vector<50x1024xf32>
    %dot_general3A_5 = tpu.matmul %get3A_4, %get3A_1, %dot_general3A {dimension_numbers = #tpu.dot_dimension_numbers<[1], [0], [0], [1], [0, 0, 1, 1], [], []>, transpose_lhs_hint = false} : vector<50x16xf32>, vector<16x1024xf32>, vector<50x1024xf32> -> vector<50x1024xf32>
    %swap3A = arith.constant 0 : index
    %swap3A_6 = arith.constant 0 : index
    %swap3A_7 = arith.constant 0 : index
    %swap3A_8 = vector.load %arg3[%swap3A, %swap3A_6, %swap3A_7] : memref<32x56x1024xf32, #tpu.memory_space<vmem>>, vector<1x50x1024xf32>
    %swap3A_9 = vector.shape_cast %swap3A_8 : vector<1x50x1024xf32> to vector<50x1024xf32>
    %swap3A_10 = vector.shape_cast %dot_general3A_5 : vector<50x1024xf32> to vector<1x50x1024xf32>
    tpu.vector_store %arg3[%swap3A, %swap3A_6, %swap3A_7], %swap3A_10 {strides = array<i32>} : memref<32x56x1024xf32, #tpu.memory_space<vmem>>, vector<1x50x1024xf32>,
    %get3A_11 = arith.constant 50 : index
    %get3A_12 = arith.constant 0 : index
    %get3A_13 = vector.load %arg1[%get3A_11, %get3A_12] : memref<1600x16xf32, #tpu.memory_space<vmem>>, vector<50x16xf32>
    %dot_general3A_14 = arith.constant dense<0.000000e+00> : vector<50x1024xf32>
    %dot_general3A_15 = tpu.matmul %get3A_13, %get3A_1, %dot_general3A_14 {dimension_numbers = #tpu.dot_dimension_numbers<[1], [0], [0], [1], [0, 0, 1, 1], [], []>, transpose_lhs_hint = false} : vector<50x16xf32>, vector<16x1024xf32>, vector<50x1024xf32> -> vector<50x1024xf32>
    %swap3A_16 = arith.constant 1 : index
    %swap3A_17 = arith.constant 0 : index
    %swap3A_18 = arith.constant 0 : index
    %swap3A_19 = vector.load %arg3[%swap3A_16, %swap3A_17, %swap3A_18] : memref<32x56x1024xf32, #tpu.memory_space<vmem>>, vector<1x50x1024xf32>
    %swap3A_20 = vector.shape_cast %swap3A_19 : vector<1x50x1024xf32> to vector<50x1024xf32>
    %swap3A_21 = vector.shape_cast %dot_general3A_15 : vector<50x1024xf32> to vector<1x50x1024xf32>
    tpu.vector_store %arg3[%swap3A_16, %swap3A_17, %swap3A_18], %swap3A_21 {strides = array<i32>} : memref<32x56x1024xf32, #tpu.memory_space<vmem>>, vector<1x50x1024xf32>,
    %get3A_22 = arith.constant 100 : index
    %get3A_23 = arith.constant 0 : index
    %get3A_24 = vector.load %arg1[%get3A_22, %get3A_23] : memref<1600x16xf32, #tpu.memory_space<vmem>>, vector<50x16xf32>
    %dot_general3A_25 = arith.constant dense<0.000000e+00> : vector<50x1024xf32>
    %dot_general3A_26 = tpu.matmul %get3A_24, %get3A_1, %dot_general3A_25 {dimension_numbers = #tpu.dot_dimension_numbers<[1], [0], [0], [1], [0, 0, 1, 1], [], []>, transpose_lhs_hint = false} : vector<50x16xf32>, vector<16x1024xf32>, vector<50x1024xf32> -> vector<50x1024xf32>
    %swap3A_27 = arith.constant 2 : index
    %swap3A_28 = arith.constant 0 : index
    %swap3A_29 = arith.constant 0 : index
    %swap3A_30 = vector.load %arg3[%swap3A_27, %swap3A_28, %swap3A_29] : memref<32x56x1024xf32, #tpu.memory_space<vmem>>, vector<1x50x1024xf32>
    %swap3A_31 = vector.shape_cast %swap3A_30 : vector<1x50x1024xf32> to vector<50x1024xf32>
    %swap3A_32 = vector.shape_cast %dot_general3A_26 : vector<50x1024xf32> to vector<1x50x1024xf32>
    tpu.vector_store %arg3[%swap3A_27, %swap3A_28, %swap3A_29], %swap3A_32 {strides = array<i32>} : memref<32x56x1024xf32, #tpu.memory_space<vmem>>, vector<1x50x1024xf32>,
    %get3A_33 = arith.constant 150 : index
    %get3A_34 = arith.constant 0 : index
    %get3A_35 = vector.load %arg1[%get3A_33, %get3A_34] : memref<1600x16xf32, #tpu.memory_space<vmem>>, vector<50x16xf32>
    %dot_general3A_36 = arith.constant dense<0.000000e+00> : vector<50x1024xf32>
    %dot_general3A_37 = tpu.matmul %get3A_35, %get3A_1, %dot_general3A_36 {dimension_numbers = #tpu.dot_dimension_numbers<[1], [0], [0], [1], [0, 0, 1, 1], [], []>, transpose_lhs_hint = false} : vector<50x16xf32>, vector<16x1024xf32>, vector<50x1024xf32> -> vector<50x1024xf32>
    %swap3A_38 = arith.constant 3 : index
    %swap3A_39 = arith.constant 0 : index
    %swap3A_40 = arith.constant 0 : index
    %swap3A_41 = vector.load %arg3[%swap3A_38, %swap3A_39, %swap3A_40] : memref<32x56x1024xf32, #tpu.memory_space<vmem>>, vector<1x50x1024xf32>
    %swap3A_42 = vector.shape_cast %swap3A_41 : vector<1x50x1024xf32> to vector<50x1024xf32>
    %swap3A_43 = vector.shape_cast %dot_general3A_37 : vector<50x1024xf32> to vector<1x50x1024xf32>
    tpu.vector_store %arg3[%swap3A_38, %swap3A_39, %swap3A_40], %swap3A_43 {strides = array<i32>} : memref<32x56x1024xf32, #tpu.memory_space<vmem>>, vector<1x50x1024xf32>,
    %get3A_44 = arith.constant 200 : index
    %get3A_45 = arith.constant 0 : index
    %get3A_46 = vector.load %arg1[%get3A_44, %get3A_45] : memref<1600x16xf32, #tpu.memory_space<vmem>>, vector<50x16xf32>
    %dot_general3A_47 = arith.constant dense<0.000000e+00> : vector<50x1024xf32>
    %dot_general3A_48 = tpu.matmul %get3A_46, %get3A_1, %dot_general3A_47 {dimension_numbers = #tpu.dot_dimension_numbers<[1], [0], [0], [1], [0, 0, 1, 1], [], []>, transpose_lhs_hint = false} : vector<50x16xf32>, vector<16x1024xf32>, vector<50x1024xf32> -> vector<50x1024xf32>
    %swap3A_49 = arith.constant 4 : index
    %swap3A_50 = arith.constant 0 : index
    %swap3A_51 = arith.constant 0 : index
    %swap3A_52 = vector.load %arg3[%swap3A_49, %swap3A_50, %swap3A_51] : memref<32x56x1024xf32, #tpu.memory_space<vmem>>, vector<1x50x1024xf32>
    %swap3A_53 = vector.shape_cast %swap3A_52 : vector<1x50x1024xf32> to vector<50x1024xf32>
    %swap3A_54 = vector.shape_cast %dot_general3A_48 : vector<50x1024xf32> to vector<1x50x1024xf32>
    tpu.vector_store %arg3[%swap3A_49, %swap3A_50, %swap3A_51], %swap3A_54 {strides = array<i32>} : memref<32x56x1024xf32, #tpu.memory_space<vmem>>, vector<1x50x1024xf32>,
    %get3A_55 = arith.constant 250 : index
    %get3A_56 = arith.constant 0 : index
    %get3A_57 = vector.load %arg1[%get3A_55, %get3A_56] : memref<1600x16xf32, #tpu.memory_space<vmem>>, vector<50x16xf32>
    %dot_general3A_58 = arith.constant dense<0.000000e+00> : vector<50x1024xf32>
    %dot_general3A_59 = tpu.matmul %get3A_57, %get3A_1, %dot_general3A_58 {dimension_numbers = #tpu.dot_dimension_numbers<[1], [0], [0], [1], [0, 0, 1, 1], [], []>, transpose_lhs_hint = false} : vector<50x16xf32>, vector<16x1024xf32>, vector<50x1024xf32> -> vector<50x1024xf32>
    %swap3A_60 = arith.constant 5 : index
    %swap3A_61 = arith.constant 0 : index
    %swap3A_62 = arith.constant 0 : index
    %swap3A_63 = vector.load %arg3[%swap3A_60, %swap3A_61, %swap3A_62] : memref<32x56x1024xf32, #tpu.memory_space<vmem>>, vector<1x50x1024xf32>
    %swap3A_64 = vector.shape_cast %swap3A_63 : vector<1x50x1024xf32> to vector<50x1024xf32>
    %swap3A_65 = vector.shape_cast %dot_general3A_59 : vector<50x1024xf32> to vector<1x50x1024xf32>
    tpu.vector_store %arg3[%swap3A_60, %swap3A_61, %swap3A_62], %swap3A_65 {strides = array<i32>} : memref<32x56x1024xf32, #tpu.memory_space<vmem>>, vector<1x50x1024xf32>,
    %get3A_66 = arith.constant 300 : index
    %get3A_67 = arith.constant 0 : index
    %get3A_68 = vector.load %arg1[%get3A_66, %get3A_67] : memref<1600x16xf32, #tpu.memory_space<vmem>>, vector<50x16xf32>
    %dot_general3A_69 = arith.constant dense<0.000000e+00> : vector<50x1024xf32>
    %dot_general3A_70 = tpu.matmul %get3A_68, %get3A_1, %dot_general3A_69 {dimension_numbers = #tpu.dot_dimension_numbers<[1], [0], [0], [1], [0, 0, 1, 1], [], []>, transpose_lhs_hint = false} : vector<50x16xf32>, vector<16x1024xf32>, vector<50x1024xf32> -> vector<50x1024xf32>
    %swap3A_71 = arith.constant 6 : index
    %swap3A_72 = arith.constant 0 : index
    %swap3A_73 = arith.constant 0 : index
    %swap3A_74 = vector.load %arg3[%swap3A_71, %swap3A_72, %swap3A_73] : memref<32x56x1024xf32, #tpu.memory_space<vmem>>, vector<1x50x1024xf32>
    %swap3A_75 = vector.shape_cast %swap3A_74 : vector<1x50x1024xf32> to vector<50x1024xf32>
    %swap3A_76 = vector.shape_cast %dot_general3A_70 : vector<50x1024xf32> to vector<1x50x1024xf32>
    tpu.vector_store %arg3[%swap3A_71, %swap3A_72, %swap3A_73], %swap3A_76 {strides = array<i32>} : memref<32x56x1024xf32, #tpu.memory_space<vmem>>, vector<1x50x1024xf32>,
    %get3A_77 = arith.constant 350 : index
    %get3A_78 = arith.constant 0 : index
    %get3A_79 = vector.load %arg1[%get3A_77, %get3A_78] : memref<1600x16xf32, #tpu.memory_space<vmem>>, vector<50x16xf32>
    %dot_general3A_80 = arith.constant dense<0.000000e+00> : vector<50x1024xf32>
    %dot_general3A_81 = tpu.matmul %get3A_79, %get3A_1, %dot_general3A_80 {dimension_numbers = #tpu.dot_dimension_numbers<[1], [0], [0], [1], [0, 0, 1, 1], [], []>, transpose_lhs_hint = false} : vector<50x16xf32>, vector<16x1024xf32>, vector<50x1024xf32> -> vector<50x1024xf32>
    %swap3A_82 = arith.constant 7 : index
    %swap3A_83 = arith.constant 0 : index
    %swap3A_84 = arith.constant 0 : index
    %swap3A_85 = vector.load %arg3[%swap3A_82, %swap3A_83, %swap3A_84] : memref<32x56x1024xf32, #tpu.memory_space<vmem>>, vector<1x50x1024xf32>
    %swap3A_86 = vector.shape_cast %swap3A_85 : vector<1x50x1024xf32> to vector<50x1024xf32>
    %swap3A_87 = vector.shape_cast %dot_general3A_81 : vector<50x1024xf32> to vector<1x50x1024xf32>
    tpu.vector_store %arg3[%swap3A_82, %swap3A_83, %swap3A_84], %swap3A_87 {strides = array<i32>} : memref<32x56x1024xf32, #tpu.memory_space<vmem>>, vector<1x50x1024xf32>,
    %get3A_88 = arith.constant 400 : index
    %get3A_89 = arith.constant 0 : index
    %get3A_90 = vector.load %arg1[%get3A_88, %get3A_89] : memref<1600x16xf32, #tpu.memory_space<vmem>>, vector<50x16xf32>
    %dot_general3A_91 = arith.constant dense<0.000000e+00> : vector<50x1024xf32>
    %dot_general3A_92 = tpu.matmul %get3A_90, %get3A_1, %dot_general3A_91 {dimension_numbers = #tpu.dot_dimension_numbers<[1], [0], [0], [1], [0, 0, 1, 1], [], []>, transpose_lhs_hint = false} : vector<50x16xf32>, vector<16x1024xf32>, vector<50x1024xf32> -> vector<50x1024xf32>
    %swap3A_93 = arith.constant 8 : index
    %swap3A_94 = arith.constant 0 : index
    %swap3A_95 = arith.constant 0 : index
    %swap3A_96 = vector.load %arg3[%swap3A_93, %swap3A_94, %swap3A_95] : memref<32x56x1024xf32, #tpu.memory_space<vmem>>, vector<1x50x1024xf32>
    %swap3A_97 = vector.shape_cast %swap3A_96 : vector<1x50x1024xf32> to vector<50x1024xf32>
    %swap3A_98 = vector.shape_cast %dot_general3A_92 : vector<50x1024xf32> to vector<1x50x1024xf32>
    tpu.vector_store %arg3[%swap3A_93, %swap3A_94, %swap3A_95], %swap3A_98 {strides = array<i32>} : memref<32x56x1024xf32, #tpu.memory_space<vmem>>, vector<1x50x1024xf32>,
    %get3A_99 = arith.constant 450 : index
    %get3A_100 = arith.constant 0 : index
    %get3A_101 = vector.load %arg1[%get3A_99, %get3A_100] : memref<1600x16xf32, #tpu.memory_space<vmem>>, vector<50x16xf32>
    %dot_general3A_102 = arith.constant dense<0.000000e+00> : vector<50x1024xf32>
    %dot_general3A_103 = tpu.matmul %get3A_101, %get3A_1, %dot_general3A_102 {dimension_numbers = #tpu.dot_dimension_numbers<[1], [0], [0], [1], [0, 0, 1, 1], [], []>, transpose_lhs_hint = false} : vector<50x16xf32>, vector<16x1024xf32>, vector<50x1024xf32> -> vector<50x1024xf32>
    %swap3A_104 = arith.constant 9 : index
    %swap3A_105 = arith.constant 0 : index
    %swap3A_106 = arith.constant 0 : index
    %swap3A_107 = vector.load %arg3[%swap3A_104, %swap3A_105, %swap3A_106] : memref<32x56x1024xf32, #tpu.memory_space<vmem>>, vector<1x50x1024xf32>
    %swap3A_108 = vector.shape_cast %swap3A_107 : vector<1x50x1024xf32> to vector<50x1024xf32>
    %swap3A_109 = vector.shape_cast %dot_general3A_103 : vector<50x1024xf32> to vector<1x50x1024xf32>
    tpu.vector_store %arg3[%swap3A_104, %swap3A_105, %swap3A_106], %swap3A_109 {strides = array<i32>} : memref<32x56x1024xf32, #tpu.memory_space<vmem>>, vector<1x50x1024xf32>,
    %get3A_110 = arith.constant 500 : index
    %get3A_111 = arith.constant 0 : index
    %get3A_112 = vector.load %arg1[%get3A_110, %get3A_111] : memref<1600x16xf32, #tpu.memory_space<vmem>>, vector<50x16xf32>
    %dot_general3A_113 = arith.constant dense<0.000000e+00> : vector<50x1024xf32>
    %dot_general3A_114 = tpu.matmul %get3A_112, %get3A_1, %dot_general3A_113 {dimension_numbers = #tpu.dot_dimension_numbers<[1], [0], [0], [1], [0, 0, 1, 1], [], []>, transpose_lhs_hint = false} : vector<50x16xf32>, vector<16x1024xf32>, vector<50x1024xf32> -> vector<50x1024xf32>
    %swap3A_115 = arith.constant 10 : index
    %swap3A_116 = arith.constant 0 : index
    %swap3A_117 = arith.constant 0 : index
    %swap3A_118 = vector.load %arg3[%swap3A_115, %swap3A_116, %swap3A_117] : memref<32x56x1024xf32, #tpu.memory_space<vmem>>, vector<1x50x1024xf32>
    %swap3A_119 = vector.shape_cast %swap3A_118 : vector<1x50x1024xf32> to vector<50x1024xf32>
    %swap3A_120 = vector.shape_cast %dot_general3A_114 : vector<50x1024xf32> to vector<1x50x1024xf32>
    tpu.vector_store %arg3[%swap3A_115, %swap3A_116, %swap3A_117], %swap3A_120 {strides = array<i32>} : memref<32x56x1024xf32, #tpu.memory_space<vmem>>, vector<1x50x1024xf32>,
    %get3A_121 = arith.constant 550 : index
    %get3A_122 = arith.constant 0 : index
    %get3A_123 = vector.load %arg1[%get3A_121, %get3A_122] : memref<1600x16xf32, #tpu.memory_space<vmem>>, vector<50x16xf32>
    %dot_general3A_124 = arith.constant dense<0.000000e+00> : vector<50x1024xf32>
    %dot_general3A_125 = tpu.matmul %get3A_123, %get3A_1, %dot_general3A_124 {dimension_numbers = #tpu.dot_dimension_numbers<[1], [0], [0], [1], [0, 0, 1, 1], [], []>, transpose_lhs_hint = false} : vector<50x16xf32>, vector<16x1024xf32>, vector<50x1024xf32> -> vector<50x1024xf32>
    %swap3A_126 = arith.constant 11 : index
    %swap3A_127 = arith.constant 0 : index
    %swap3A_128 = arith.constant 0 : index
    %swap3A_129 = vector.load %arg3[%swap3A_126, %swap3A_127, %swap3A_128] : memref<32x56x1024xf32, #tpu.memory_space<vmem>>, vector<1x50x1024xf32>
    %swap3A_130 = vector.shape_cast %swap3A_129 : vector<1x50x1024xf32> to vector<50x1024xf32>
    %swap3A_131 = vector.shape_cast %dot_general3A_125 : vector<50x1024xf32> to vector<1x50x1024xf32>
    tpu.vector_store %arg3[%swap3A_126, %swap3A_127, %swap3A_128], %swap3A_131 {strides = array<i32>} : memref<32x56x1024xf32, #tpu.memory_space<vmem>>, vector<1x50x1024xf32>,
    %get3A_132 = arith.constant 600 : index
    %get3A_133 = arith.constant 0 : index
    %get3A_134 = vector.load %arg1[%get3A_132, %get3A_133] : memref<1600x16xf32, #tpu.memory_space<vmem>>, vector<50x16xf32>
    %dot_general3A_135 = arith.constant dense<0.000000e+00> : vector<50x1024xf32>
    %dot_general3A_136 = tpu.matmul %get3A_134, %get3A_1, %dot_general3A_135 {dimension_numbers = #tpu.dot_dimension_numbers<[1], [0], [0], [1], [0, 0, 1, 1], [], []>, transpose_lhs_hint = false} : vector<50x16xf32>, vector<16x1024xf32>, vector<50x1024xf32> -> vector<50x1024xf32>
    %swap3A_137 = arith.constant 12 : index
    %swap3A_138 = arith.constant 0 : index
    %swap3A_139 = arith.constant 0 : index
    %swap3A_140 = vector.load %arg3[%swap3A_137, %swap3A_138, %swap3A_139] : memref<32x56x1024xf32, #tpu.memory_space<vmem>>, vector<1x50x1024xf32>
    %swap3A_141 = vector.shape_cast %swap3A_140 : vector<1x50x1024xf32> to vector<50x1024xf32>
    %swap3A_142 = vector.shape_cast %dot_general3A_136 : vector<50x1024xf32> to vector<1x50x1024xf32>
    tpu.vector_store %arg3[%swap3A_137, %swap3A_138, %swap3A_139], %swap3A_142 {strides = array<i32>} : memref<32x56x1024xf32, #tpu.memory_space<vmem>>, vector<1x50x1024xf32>,
    %get3A_143 = arith.constant 650 : index
    %get3A_144 = arith.constant 0 : index
    %get3A_145 = vector.load %arg1[%get3A_143, %get3A_144] : memref<1600x16xf32, #tpu.memory_space<vmem>>, vector<50x16xf32>
    %dot_general3A_146 = arith.constant dense<0.000000e+00> : vector<50x1024xf32>
    %dot_general3A_147 = tpu.matmul %get3A_145, %get3A_1, %dot_general3A_146 {dimension_numbers = #tpu.dot_dimension_numbers<[1], [0], [0], [1], [0, 0, 1, 1], [], []>, transpose_lhs_hint = false} : vector<50x16xf32>, vector<16x1024xf32>, vector<50x1024xf32> -> vector<50x1024xf32>
    %swap3A_148 = arith.constant 13 : index
    %swap3A_149 = arith.constant 0 : index
    %swap3A_150 = arith.constant 0 : index
    %swap3A_151 = vector.load %arg3[%swap3A_148, %swap3A_149, %swap3A_150] : memref<32x56x1024xf32, #tpu.memory_space<vmem>>, vector<1x50x1024xf32>
    %swap3A_152 = vector.shape_cast %swap3A_151 : vector<1x50x1024xf32> to vector<50x1024xf32>
    %swap3A_153 = vector.shape_cast %dot_general3A_147 : vector<50x1024xf32> to vector<1x50x1024xf32>
    tpu.vector_store %arg3[%swap3A_148, %swap3A_149, %swap3A_150], %swap3A_153 {strides = array<i32>} : memref<32x56x1024xf32, #tpu.memory_space<vmem>>, vector<1x50x1024xf32>,
    %get3A_154 = arith.constant 700 : index
    %get3A_155 = arith.constant 0 : index
    %get3A_156 = vector.load %arg1[%get3A_154, %get3A_155] : memref<1600x16xf32, #tpu.memory_space<vmem>>, vector<50x16xf32>
    %dot_general3A_157 = arith.constant dense<0.000000e+00> : vector<50x1024xf32>
    %dot_general3A_158 = tpu.matmul %get3A_156, %get3A_1, %dot_general3A_157 {dimension_numbers = #tpu.dot_dimension_numbers<[1], [0], [0], [1], [0, 0, 1, 1], [], []>, transpose_lhs_hint = false} : vector<50x16xf32>, vector<16x1024xf32>, vector<50x1024xf32> -> vector<50x1024xf32>
    %swap3A_159 = arith.constant 14 : index
    %swap3A_160 = arith.constant 0 : index
    %swap3A_161 = arith.constant 0 : index
    %swap3A_162 = vector.load %arg3[%swap3A_159, %swap3A_160, %swap3A_161] : memref<32x56x1024xf32, #tpu.memory_space<vmem>>, vector<1x50x1024xf32>
    %swap3A_163 = vector.shape_cast %swap3A_162 : vector<1x50x1024xf32> to vector<50x1024xf32>
    %swap3A_164 = vector.shape_cast %dot_general3A_158 : vector<50x1024xf32> to vector<1x50x1024xf32>
    tpu.vector_store %arg3[%swap3A_159, %swap3A_160, %swap3A_161], %swap3A_164 {strides = array<i32>} : memref<32x56x1024xf32, #tpu.memory_space<vmem>>, vector<1x50x1024xf32>,
    %get3A_165 = arith.constant 750 : index
    %get3A_166 = arith.constant 0 : index
    %get3A_167 = vector.load %arg1[%get3A_165, %get3A_166] : memref<1600x16xf32, #tpu.memory_space<vmem>>, vector<50x16xf32>
    %dot_general3A_168 = arith.constant dense<0.000000e+00> : vector<50x1024xf32>
    %dot_general3A_169 = tpu.matmul %get3A_167, %get3A_1, %dot_general3A_168 {dimension_numbers = #tpu.dot_dimension_numbers<[1], [0], [0], [1], [0, 0, 1, 1], [], []>, transpose_lhs_hint = false} : vector<50x16xf32>, vector<16x1024xf32>, vector<50x1024xf32> -> vector<50x1024xf32>
    %swap3A_170 = arith.constant 15 : index
    %swap3A_171 = arith.constant 0 : index
    %swap3A_172 = arith.constant 0 : index
    %swap3A_173 = vector.load %arg3[%swap3A_170, %swap3A_171, %swap3A_172] : memref<32x56x1024xf32, #tpu.memory_space<vmem>>, vector<1x50x1024xf32>
    %swap3A_174 = vector.shape_cast %swap3A_173 : vector<1x50x1024xf32> to vector<50x1024xf32>
    %swap3A_175 = vector.shape_cast %dot_general3A_169 : vector<50x1024xf32> to vector<1x50x1024xf32>
    tpu.vector_store %arg3[%swap3A_170, %swap3A_171, %swap3A_172], %swap3A_175 {strides = array<i32>} : memref<32x56x1024xf32, #tpu.memory_space<vmem>>, vector<1x50x1024xf32>,
    %get3A_176 = arith.constant 800 : index
    %get3A_177 = arith.constant 0 : index
    %get3A_178 = vector.load %arg1[%get3A_176, %get3A_177] : memref<1600x16xf32, #tpu.memory_space<vmem>>, vector<50x16xf32>
    %dot_general3A_179 = arith.constant dense<0.000000e+00> : vector<50x1024xf32>
    %dot_general3A_180 = tpu.matmul %get3A_178, %get3A_1, %dot_general3A_179 {dimension_numbers = #tpu.dot_dimension_numbers<[1], [0], [0], [1], [0, 0, 1, 1], [], []>, transpose_lhs_hint = false} : vector<50x16xf32>, vector<16x1024xf32>, vector<50x1024xf32> -> vector<50x1024xf32>
    %swap3A_181 = arith.constant 16 : index
    %swap3A_182 = arith.constant 0 : index
    %swap3A_183 = arith.constant 0 : index
    %swap3A_184 = vector.load %arg3[%swap3A_181, %swap3A_182, %swap3A_183] : memref<32x56x1024xf32, #tpu.memory_space<vmem>>, vector<1x50x1024xf32>
    %swap3A_185 = vector.shape_cast %swap3A_184 : vector<1x50x1024xf32> to vector<50x1024xf32>
    %swap3A_186 = vector.shape_cast %dot_general3A_180 : vector<50x1024xf32> to vector<1x50x1024xf32>
    tpu.vector_store %arg3[%swap3A_181, %swap3A_182, %swap3A_183], %swap3A_186 {strides = array<i32>} : memref<32x56x1024xf32, #tpu.memory_space<vmem>>, vector<1x50x1024xf32>,
    %get3A_187 = arith.constant 850 : index
    %get3A_188 = arith.constant 0 : index
    %get3A_189 = vector.load %arg1[%get3A_187, %get3A_188] : memref<1600x16xf32, #tpu.memory_space<vmem>>, vector<50x16xf32>
    %dot_general3A_190 = arith.constant dense<0.000000e+00> : vector<50x1024xf32>
    %dot_general3A_191 = tpu.matmul %get3A_189, %get3A_1, %dot_general3A_190 {dimension_numbers = #tpu.dot_dimension_numbers<[1], [0], [0], [1], [0, 0, 1, 1], [], []>, transpose_lhs_hint = false} : vector<50x16xf32>, vector<16x1024xf32>, vector<50x1024xf32> -> vector<50x1024xf32>
    %swap3A_192 = arith.constant 17 : index
    %swap3A_193 = arith.constant 0 : index
    %swap3A_194 = arith.constant 0 : index
    %swap3A_195 = vector.load %arg3[%swap3A_192, %swap3A_193, %swap3A_194] : memref<32x56x1024xf32, #tpu.memory_space<vmem>>, vector<1x50x1024xf32>
    %swap3A_196 = vector.shape_cast %swap3A_195 : vector<1x50x1024xf32> to vector<50x1024xf32>
    %swap3A_197 = vector.shape_cast %dot_general3A_191 : vector<50x1024xf32> to vector<1x50x1024xf32>
    tpu.vector_store %arg3[%swap3A_192, %swap3A_193, %swap3A_194], %swap3A_197 {strides = array<i32>} : memref<32x56x1024xf32, #tpu.memory_space<vmem>>, vector<1x50x1024xf32>,
    %get3A_198 = arith.constant 900 : index
    %get3A_199 = arith.constant 0 : index
    %get3A_200 = vector.load %arg1[%get3A_198, %get3A_199] : memref<1600x16xf32, #tpu.memory_space<vmem>>, vector<50x16xf32>
    %dot_general3A_201 = arith.constant dense<0.000000e+00> : vector<50x1024xf32>
    %dot_general3A_202 = tpu.matmul %get3A_200, %get3A_1, %dot_general3A_201 {dimension_numbers = #tpu.dot_dimension_numbers<[1], [0], [0], [1], [0, 0, 1, 1], [], []>, transpose_lhs_hint = false} : vector<50x16xf32>, vector<16x1024xf32>, vector<50x1024xf32> -> vector<50x1024xf32>
    %swap3A_203 = arith.constant 18 : index
    %swap3A_204 = arith.constant 0 : index
    %swap3A_205 = arith.constant 0 : index
    %swap3A_206 = vector.load %arg3[%swap3A_203, %swap3A_204, %swap3A_205] : memref<32x56x1024xf32, #tpu.memory_space<vmem>>, vector<1x50x1024xf32>
    %swap3A_207 = vector.shape_cast %swap3A_206 : vector<1x50x1024xf32> to vector<50x1024xf32>
    %swap3A_208 = vector.shape_cast %dot_general3A_202 : vector<50x1024xf32> to vector<1x50x1024xf32>
    tpu.vector_store %arg3[%swap3A_203, %swap3A_204, %swap3A_205], %swap3A_208 {strides = array<i32>} : memref<32x56x1024xf32, #tpu.memory_space<vmem>>, vector<1x50x1024xf32>,
    %get3A_209 = arith.constant 950 : index
    %get3A_210 = arith.constant 0 : index
    %get3A_211 = vector.load %arg1[%get3A_209, %get3A_210] : memref<1600x16xf32, #tpu.memory_space<vmem>>, vector<50x16xf32>
    %dot_general3A_212 = arith.constant dense<0.000000e+00> : vector<50x1024xf32>
    %dot_general3A_213 = tpu.matmul %get3A_211, %get3A_1, %dot_general3A_212 {dimension_numbers = #tpu.dot_dimension_numbers<[1], [0], [0], [1], [0, 0, 1, 1], [], []>, transpose_lhs_hint = false} : vector<50x16xf32>, vector<16x1024xf32>, vector<50x1024xf32> -> vector<50x1024xf32>
    %swap3A_214 = arith.constant 19 : index
    %swap3A_215 = arith.constant 0 : index
    %swap3A_216 = arith.constant 0 : index
    %swap3A_217 = vector.load %arg3[%swap3A_214, %swap3A_215, %swap3A_216] : memref<32x56x1024xf32, #tpu.memory_space<vmem>>, vector<1x50x1024xf32>
    %swap3A_218 = vector.shape_cast %swap3A_217 : vector<1x50x1024xf32> to vector<50x1024xf32>
    %swap3A_219 = vector.shape_cast %dot_general3A_213 : vector<50x1024xf32> to vector<1x50x1024xf32>
    tpu.vector_store %arg3[%swap3A_214, %swap3A_215, %swap3A_216], %swap3A_219 {strides = array<i32>} : memref<32x56x1024xf32, #tpu.memory_space<vmem>>, vector<1x50x1024xf32>,
    %get3A_220 = arith.constant 1000 : index
    %get3A_221 = arith.constant 0 : index
    %get3A_222 = vector.load %arg1[%get3A_220, %get3A_221] : memref<1600x16xf32, #tpu.memory_space<vmem>>, vector<50x16xf32>
    %dot_general3A_223 = arith.constant dense<0.000000e+00> : vector<50x1024xf32>
    %dot_general3A_224 = tpu.matmul %get3A_222, %get3A_1, %dot_general3A_223 {dimension_numbers = #tpu.dot_dimension_numbers<[1], [0], [0], [1], [0, 0, 1, 1], [], []>, transpose_lhs_hint = false} : vector<50x16xf32>, vector<16x1024xf32>, vector<50x1024xf32> -> vector<50x1024xf32>
    %swap3A_225 = arith.constant 20 : index
    %swap3A_226 = arith.constant 0 : index
    %swap3A_227 = arith.constant 0 : index
    %swap3A_228 = vector.load %arg3[%swap3A_225, %swap3A_226, %swap3A_227] : memref<32x56x1024xf32, #tpu.memory_space<vmem>>, vector<1x50x1024xf32>
    %swap3A_229 = vector.shape_cast %swap3A_228 : vector<1x50x1024xf32> to vector<50x1024xf32>
    %swap3A_230 = vector.shape_cast %dot_general3A_224 : vector<50x1024xf32> to vector<1x50x1024xf32>
    tpu.vector_store %arg3[%swap3A_225, %swap3A_226, %swap3A_227], %swap3A_230 {strides = array<i32>} : memref<32x56x1024xf32, #tpu.memory_space<vmem>>, vector<1x50x1024xf32>,
    %get3A_231 = arith.constant 1050 : index
    %get3A_232 = arith.constant 0 : index
    %get3A_233 = vector.load %arg1[%get3A_231, %get3A_232] : memref<1600x16xf32, #tpu.memory_space<vmem>>, vector<50x16xf32>
    %dot_general3A_234 = arith.constant dense<0.000000e+00> : vector<50x1024xf32>
    %dot_general3A_235 = tpu.matmul %get3A_233, %get3A_1, %dot_general3A_234 {dimension_numbers = #tpu.dot_dimension_numbers<[1], [0], [0], [1], [0, 0, 1, 1], [], []>, transpose_lhs_hint = false} : vector<50x16xf32>, vector<16x1024xf32>, vector<50x1024xf32> -> vector<50x1024xf32>
    %swap3A_236 = arith.constant 21 : index
    %swap3A_237 = arith.constant 0 : index
    %swap3A_238 = arith.constant 0 : index
    %swap3A_239 = vector.load %arg3[%swap3A_236, %swap3A_237, %swap3A_238] : memref<32x56x1024xf32, #tpu.memory_space<vmem>>, vector<1x50x1024xf32>
    %swap3A_240 = vector.shape_cast %swap3A_239 : vector<1x50x1024xf32> to vector<50x1024xf32>
    %swap3A_241 = vector.shape_cast %dot_general3A_235 : vector<50x1024xf32> to vector<1x50x1024xf32>
    tpu.vector_store %arg3[%swap3A_236, %swap3A_237, %swap3A_238], %swap3A_241 {strides = array<i32>} : memref<32x56x1024xf32, #tpu.memory_space<vmem>>, vector<1x50x1024xf32>,
    %get3A_242 = arith.constant 1100 : index
    %get3A_243 = arith.constant 0 : index
    %get3A_244 = vector.load %arg1[%get3A_242, %get3A_243] : memref<1600x16xf32, #tpu.memory_space<vmem>>, vector<50x16xf32>
    %dot_general3A_245 = arith.constant dense<0.000000e+00> : vector<50x1024xf32>
    %dot_general3A_246 = tpu.matmul %get3A_244, %get3A_1, %dot_general3A_245 {dimension_numbers = #tpu.dot_dimension_numbers<[1], [0], [0], [1], [0, 0, 1, 1], [], []>, transpose_lhs_hint = false} : vector<50x16xf32>, vector<16x1024xf32>, vector<50x1024xf32> -> vector<50x1024xf32>
    %swap3A_247 = arith.constant 22 : index
    %swap3A_248 = arith.constant 0 : index
    %swap3A_249 = arith.constant 0 : index
    %swap3A_250 = vector.load %arg3[%swap3A_247, %swap3A_248, %swap3A_249] : memref<32x56x1024xf32, #tpu.memory_space<vmem>>, vector<1x50x1024xf32>
    %swap3A_251 = vector.shape_cast %swap3A_250 : vector<1x50x1024xf32> to vector<50x1024xf32>
    %swap3A_252 = vector.shape_cast %dot_general3A_246 : vector<50x1024xf32> to vector<1x50x1024xf32>
    tpu.vector_store %arg3[%swap3A_247, %swap3A_248, %swap3A_249], %swap3A_252 {strides = array<i32>} : memref<32x56x1024xf32, #tpu.memory_space<vmem>>, vector<1x50x1024xf32>,
    %get3A_253 = arith.constant 1150 : index
    %get3A_254 = arith.constant 0 : index
    %get3A_255 = vector.load %arg1[%get3A_253, %get3A_254] : memref<1600x16xf32, #tpu.memory_space<vmem>>, vector<50x16xf32>
    %dot_general3A_256 = arith.constant dense<0.000000e+00> : vector<50x1024xf32>
    %dot_general3A_257 = tpu.matmul %get3A_255, %get3A_1, %dot_general3A_256 {dimension_numbers = #tpu.dot_dimension_numbers<[1], [0], [0], [1], [0, 0, 1, 1], [], []>, transpose_lhs_hint = false} : vector<50x16xf32>, vector<16x1024xf32>, vector<50x1024xf32> -> vector<50x1024xf32>
    %swap3A_258 = arith.constant 23 : index
    %swap3A_259 = arith.constant 0 : index
    %swap3A_260 = arith.constant 0 : index
    %swap3A_261 = vector.load %arg3[%swap3A_258, %swap3A_259, %swap3A_260] : memref<32x56x1024xf32, #tpu.memory_space<vmem>>, vector<1x50x1024xf32>
    %swap3A_262 = vector.shape_cast %swap3A_261 : vector<1x50x1024xf32> to vector<50x1024xf32>
    %swap3A_263 = vector.shape_cast %dot_general3A_257 : vector<50x1024xf32> to vector<1x50x1024xf32>
    tpu.vector_store %arg3[%swap3A_258, %swap3A_259, %swap3A_260], %swap3A_263 {strides = array<i32>} : memref<32x56x1024xf32, #tpu.memory_space<vmem>>, vector<1x50x1024xf32>,
    %get3A_264 = arith.constant 1200 : index
    %get3A_265 = arith.constant 0 : index
    %get3A_266 = vector.load %arg1[%get3A_264, %get3A_265] : memref<1600x16xf32, #tpu.memory_space<vmem>>, vector<50x16xf32>
    %dot_general3A_267 = arith.constant dense<0.000000e+00> : vector<50x1024xf32>
    %dot_general3A_268 = tpu.matmul %get3A_266, %get3A_1, %dot_general3A_267 {dimension_numbers = #tpu.dot_dimension_numbers<[1], [0], [0], [1], [0, 0, 1, 1], [], []>, transpose_lhs_hint = false} : vector<50x16xf32>, vector<16x1024xf32>, vector<50x1024xf32> -> vector<50x1024xf32>
    %swap3A_269 = arith.constant 24 : index
    %swap3A_270 = arith.constant 0 : index
    %swap3A_271 = arith.constant 0 : index
    %swap3A_272 = vector.load %arg3[%swap3A_269, %swap3A_270, %swap3A_271] : memref<32x56x1024xf32, #tpu.memory_space<vmem>>, vector<1x50x1024xf32>
    %swap3A_273 = vector.shape_cast %swap3A_272 : vector<1x50x1024xf32> to vector<50x1024xf32>
    %swap3A_274 = vector.shape_cast %dot_general3A_268 : vector<50x1024xf32> to vector<1x50x1024xf32>
    tpu.vector_store %arg3[%swap3A_269, %swap3A_270, %swap3A_271], %swap3A_274 {strides = array<i32>} : memref<32x56x1024xf32, #tpu.memory_space<vmem>>, vector<1x50x1024xf32>,
    %get3A_275 = arith.constant 1250 : index
    %get3A_276 = arith.constant 0 : index
    %get3A_277 = vector.load %arg1[%get3A_275, %get3A_276] : memref<1600x16xf32, #tpu.memory_space<vmem>>, vector<50x16xf32>
    %dot_general3A_278 = arith.constant dense<0.000000e+00> : vector<50x1024xf32>
    %dot_general3A_279 = tpu.matmul %get3A_277, %get3A_1, %dot_general3A_278 {dimension_numbers = #tpu.dot_dimension_numbers<[1], [0], [0], [1], [0, 0, 1, 1], [], []>, transpose_lhs_hint = false} : vector<50x16xf32>, vector<16x1024xf32>, vector<50x1024xf32> -> vector<50x1024xf32>
    %swap3A_280 = arith.constant 25 : index
    %swap3A_281 = arith.constant 0 : index
    %swap3A_282 = arith.constant 0 : index
    %swap3A_283 = vector.load %arg3[%swap3A_280, %swap3A_281, %swap3A_282] : memref<32x56x1024xf32, #tpu.memory_space<vmem>>, vector<1x50x1024xf32>
    %swap3A_284 = vector.shape_cast %swap3A_283 : vector<1x50x1024xf32> to vector<50x1024xf32>
    %swap3A_285 = vector.shape_cast %dot_general3A_279 : vector<50x1024xf32> to vector<1x50x1024xf32>
    tpu.vector_store %arg3[%swap3A_280, %swap3A_281, %swap3A_282], %swap3A_285 {strides = array<i32>} : memref<32x56x1024xf32, #tpu.memory_space<vmem>>, vector<1x50x1024xf32>,
    %get3A_286 = arith.constant 1300 : index
    %get3A_287 = arith.constant 0 : index
    %get3A_288 = vector.load %arg1[%get3A_286, %get3A_287] : memref<1600x16xf32, #tpu.memory_space<vmem>>, vector<50x16xf32>
    %dot_general3A_289 = arith.constant dense<0.000000e+00> : vector<50x1024xf32>
    %dot_general3A_290 = tpu.matmul %get3A_288, %get3A_1, %dot_general3A_289 {dimension_numbers = #tpu.dot_dimension_numbers<[1], [0], [0], [1], [0, 0, 1, 1], [], []>, transpose_lhs_hint = false} : vector<50x16xf32>, vector<16x1024xf32>, vector<50x1024xf32> -> vector<50x1024xf32>
    %swap3A_291 = arith.constant 26 : index
    %swap3A_292 = arith.constant 0 : index
    %swap3A_293 = arith.constant 0 : index
    %swap3A_294 = vector.load %arg3[%swap3A_291, %swap3A_292, %swap3A_293] : memref<32x56x1024xf32, #tpu.memory_space<vmem>>, vector<1x50x1024xf32>
    %swap3A_295 = vector.shape_cast %swap3A_294 : vector<1x50x1024xf32> to vector<50x1024xf32>
    %swap3A_296 = vector.shape_cast %dot_general3A_290 : vector<50x1024xf32> to vector<1x50x1024xf32>
    tpu.vector_store %arg3[%swap3A_291, %swap3A_292, %swap3A_293], %swap3A_296 {strides = array<i32>} : memref<32x56x1024xf32, #tpu.memory_space<vmem>>, vector<1x50x1024xf32>,
    %get3A_297 = arith.constant 1350 : index
    %get3A_298 = arith.constant 0 : index
    %get3A_299 = vector.load %arg1[%get3A_297, %get3A_298] : memref<1600x16xf32, #tpu.memory_space<vmem>>, vector<50x16xf32>
    %dot_general3A_300 = arith.constant dense<0.000000e+00> : vector<50x1024xf32>
    %dot_general3A_301 = tpu.matmul %get3A_299, %get3A_1, %dot_general3A_300 {dimension_numbers = #tpu.dot_dimension_numbers<[1], [0], [0], [1], [0, 0, 1, 1], [], []>, transpose_lhs_hint = false} : vector<50x16xf32>, vector<16x1024xf32>, vector<50x1024xf32> -> vector<50x1024xf32>
    %swap3A_302 = arith.constant 27 : index
    %swap3A_303 = arith.constant 0 : index
    %swap3A_304 = arith.constant 0 : index
    %swap3A_305 = vector.load %arg3[%swap3A_302, %swap3A_303, %swap3A_304] : memref<32x56x1024xf32, #tpu.memory_space<vmem>>, vector<1x50x1024xf32>
    %swap3A_306 = vector.shape_cast %swap3A_305 : vector<1x50x1024xf32> to vector<50x1024xf32>
    %swap3A_307 = vector.shape_cast %dot_general3A_301 : vector<50x1024xf32> to vector<1x50x1024xf32>
    tpu.vector_store %arg3[%swap3A_302, %swap3A_303, %swap3A_304], %swap3A_307 {strides = array<i32>} : memref<32x56x1024xf32, #tpu.memory_space<vmem>>, vector<1x50x1024xf32>,
    %get3A_308 = arith.constant 1400 : index
    %get3A_309 = arith.constant 0 : index
    %get3A_310 = vector.load %arg1[%get3A_308, %get3A_309] : memref<1600x16xf32, #tpu.memory_space<vmem>>, vector<50x16xf32>
    %dot_general3A_311 = arith.constant dense<0.000000e+00> : vector<50x1024xf32>
    %dot_general3A_312 = tpu.matmul %get3A_310, %get3A_1, %dot_general3A_311 {dimension_numbers = #tpu.dot_dimension_numbers<[1], [0], [0], [1], [0, 0, 1, 1], [], []>, transpose_lhs_hint = false} : vector<50x16xf32>, vector<16x1024xf32>, vector<50x1024xf32> -> vector<50x1024xf32>
    %swap3A_313 = arith.constant 28 : index
    %swap3A_314 = arith.constant 0 : index
    %swap3A_315 = arith.constant 0 : index
    %swap3A_316 = vector.load %arg3[%swap3A_313, %swap3A_314, %swap3A_315] : memref<32x56x1024xf32, #tpu.memory_space<vmem>>, vector<1x50x1024xf32>
    %swap3A_317 = vector.shape_cast %swap3A_316 : vector<1x50x1024xf32> to vector<50x1024xf32>
    %swap3A_318 = vector.shape_cast %dot_general3A_312 : vector<50x1024xf32> to vector<1x50x1024xf32>
    tpu.vector_store %arg3[%swap3A_313, %swap3A_314, %swap3A_315], %swap3A_318 {strides = array<i32>} : memref<32x56x1024xf32, #tpu.memory_space<vmem>>, vector<1x50x1024xf32>,
    %get3A_319 = arith.constant 1450 : index
    %get3A_320 = arith.constant 0 : index
    %get3A_321 = vector.load %arg1[%get3A_319, %get3A_320] : memref<1600x16xf32, #tpu.memory_space<vmem>>, vector<50x16xf32>
    %dot_general3A_322 = arith.constant dense<0.000000e+00> : vector<50x1024xf32>
    %dot_general3A_323 = tpu.matmul %get3A_321, %get3A_1, %dot_general3A_322 {dimension_numbers = #tpu.dot_dimension_numbers<[1], [0], [0], [1], [0, 0, 1, 1], [], []>, transpose_lhs_hint = false} : vector<50x16xf32>, vector<16x1024xf32>, vector<50x1024xf32> -> vector<50x1024xf32>
    %swap3A_324 = arith.constant 29 : index
    %swap3A_325 = arith.constant 0 : index
    %swap3A_326 = arith.constant 0 : index
    %swap3A_327 = vector.load %arg3[%swap3A_324, %swap3A_325, %swap3A_326] : memref<32x56x1024xf32, #tpu.memory_space<vmem>>, vector<1x50x1024xf32>
    %swap3A_328 = vector.shape_cast %swap3A_327 : vector<1x50x1024xf32> to vector<50x1024xf32>
    %swap3A_329 = vector.shape_cast %dot_general3A_323 : vector<50x1024xf32> to vector<1x50x1024xf32>
    tpu.vector_store %arg3[%swap3A_324, %swap3A_325, %swap3A_326], %swap3A_329 {strides = array<i32>} : memref<32x56x1024xf32, #tpu.memory_space<vmem>>, vector<1x50x1024xf32>,
    %get3A_330 = arith.constant 1500 : index
    %get3A_331 = arith.constant 0 : index
    %get3A_332 = vector.load %arg1[%get3A_330, %get3A_331] : memref<1600x16xf32, #tpu.memory_space<vmem>>, vector<50x16xf32>
    %dot_general3A_333 = arith.constant dense<0.000000e+00> : vector<50x1024xf32>
    %dot_general3A_334 = tpu.matmul %get3A_332, %get3A_1, %dot_general3A_333 {dimension_numbers = #tpu.dot_dimension_numbers<[1], [0], [0], [1], [0, 0, 1, 1], [], []>, transpose_lhs_hint = false} : vector<50x16xf32>, vector<16x1024xf32>, vector<50x1024xf32> -> vector<50x1024xf32>
    %swap3A_335 = arith.constant 30 : index
    %swap3A_336 = arith.constant 0 : index
    %swap3A_337 = arith.constant 0 : index
    %swap3A_338 = vector.load %arg3[%swap3A_335, %swap3A_336, %swap3A_337] : memref<32x56x1024xf32, #tpu.memory_space<vmem>>, vector<1x50x1024xf32>
    %swap3A_339 = vector.shape_cast %swap3A_338 : vector<1x50x1024xf32> to vector<50x1024xf32>
    %swap3A_340 = vector.shape_cast %dot_general3A_334 : vector<50x1024xf32> to vector<1x50x1024xf32>
    tpu.vector_store %arg3[%swap3A_335, %swap3A_336, %swap3A_337], %swap3A_340 {strides = array<i32>} : memref<32x56x1024xf32, #tpu.memory_space<vmem>>, vector<1x50x1024xf32>,
    %get3A_341 = arith.constant 1550 : index
    %get3A_342 = arith.constant 0 : index
    %get3A_343 = vector.load %arg1[%get3A_341, %get3A_342] : memref<1600x16xf32, #tpu.memory_space<vmem>>, vector<50x16xf32>
    %dot_general3A_344 = arith.constant dense<0.000000e+00> : vector<50x1024xf32>
    %dot_general3A_345 = tpu.matmul %get3A_343, %get3A_1, %dot_general3A_344 {dimension_numbers = #tpu.dot_dimension_numbers<[1], [0], [0], [1], [0, 0, 1, 1], [], []>, transpose_lhs_hint = false} : vector<50x16xf32>, vector<16x1024xf32>, vector<50x1024xf32> -> vector<50x1024xf32>
    %swap3A_346 = arith.constant 31 : index
    %swap3A_347 = arith.constant 0 : index
    %swap3A_348 = arith.constant 0 : index
    %swap3A_349 = vector.load %arg3[%swap3A_346, %swap3A_347, %swap3A_348] : memref<32x56x1024xf32, #tpu.memory_space<vmem>>, vector<1x50x1024xf32>
    %swap3A_350 = vector.shape_cast %swap3A_349 : vector<1x50x1024xf32> to vector<50x1024xf32>
    %swap3A_351 = vector.shape_cast %dot_general3A_345 : vector<50x1024xf32> to vector<1x50x1024xf32>
    tpu.vector_store %arg3[%swap3A_346, %swap3A_347, %swap3A_348], %swap3A_351 {strides = array<i32>} : memref<32x56x1024xf32, #tpu.memory_space<vmem>>, vector<1x50x1024xf32>,
    return
  }
  func.func @transform_0(%arg0: i32) -> (i32, i32) {
    %add3A = arith.constant 0 : i32
    %add3A_0 = arith.addi %add3A, %arg0 : i32
    %c0_i32 = arith.constant 0 : i32
    %c0_i32_1 = arith.constant 0 : i32
    return %add3A_0, %c0_i32 : i32, i32
  }
  func.func @transform_1(%arg0: i32) -> (i32, i32) {
    %c0_i32 = arith.constant 0 : i32
    %c0_i32_0 = arith.constant 0 : i32
    %c0_i32_1 = arith.constant 0 : i32
    return %c0_i32, %c0_i32_0 : i32, i32
  }
  func.func @transform_2(%arg0: i32) -> (i32, i32, i32) {
    %c0_i32 = arith.constant 0 : i32
    %c0_i32_0 = arith.constant 0 : i32
    %c0_i32_1 = arith.constant 0 : i32
    return %arg0, %c0_i32, %c0_i32_0 : i32, i32, i32
  }
}

</mosaic_0001>

<sc_bundles>
// kernel: kernel.4.cloned.1.call-start
scs
__scs_entry_jumppad:
0x0: {  	(pc) =	sbr.rel $0x88, $3  }
0x1: {  	(tag) =	ssettag $0x0;
	lr =	simm.s32 $0x1  }
0x2: {  	[smem:$0x3F9E] =	sst lr;
	_ =	strace $0xD0000000  }
0x3: {  	_ = 	snop  }
0x4: {  	_ = 	snop  }
0x5: {  	_ = 	snop  }
0x6: {  	_ = 	snop  }
0x7: {  	_ = 	snop  }
__scs_overlays_trampoline_lowered:
0x8: {  	[smem:$0x3FAD] =	sst s0  }
0x9: {  	[smem:$0x3FAE] =	sst s1  }
0xa: {  	[smem:$0x3FAF] =	sst s2  }
0xb: {  	[smem:$0x3FB0] =	sst s3  }
0xc: {  	[smem:$0x3FB1] =	sst s4  }
0xd: {  	[smem:$0x3FB2] =	sst s5  }
0xe: {  	[smem:$0x3FB3] =	sst s6  }
0xf: {  	[smem:$0x3FB4] =	sst s7  }
0x10: {  	[smem:$0x3FB5] =	sst s8  }
0x11: {  	[smem:$0x3FB6] =	sst s9;
	s0 =	simm.s32 @!p0 $0x0  }
0x12: {  	s1 =	sld [smem:$0x3F9C];
	s0 =	simm.s32 @p0 $0x1  }
0x13: {  	[smem:$0x3FB7] =	sst s0;
	s0 =	simm.s32 @!p1 $0x0  }
0x14: {  	s2 =	sld [smem:$0x3F9B];
	s0 =	simm.s32 @p1 $0x1  }
0x15: {  	[smem:$0x3FB8] =	sst s0;
	s0 =	simm.s32 @!p2 $0x0  }
0x16: {  	s3 =	sld [smem:$0x3FDB];
	s0 =	simm.s32 @p2 $0x1  }
0x17: {  	s4 =	simm.s32 $0x1BF5;
	[smem:$0x3FBA] =	sst s0  }
0x18: {  	s0 =	sld [smem:$0x3F9D];
	_ =	swait.ge [sflag:s4], $0x0  }
0x19: {  	s7 =	sld [smem:$0x3F9E]  }
0x1a: {  	s8 =	sadd.s32 $0xFFFFE003, lr  }
0x1b: {  	s9 =	sadd.s32 $0xFFFFFEF7, lr;
	s5 =	simm.s32 $0xFFFFFFFF;
	p2 =	slt.u32 s8, $0xFFFFF086  }
0x1c: {  	p1 =	slt.u32 s9, $0xF7A;
	s5 =	simm.s32 @!p2 $0x0  }
0x1d: {  	s5 =	simm.s32 @p1 $0x1;
	p0 =	seq.s32 s7, s2  }
0x1e: {  	s7 =	smul.u32 @!p0 $0xF7A, s2;
	p2 =	seq.s32 @!p0 s5, $0x0  }
0x1f: {  	s9 =	smul.u32 $0xF7A, s1;
	s8 =	simm.s32 @!p0 $0x1BF5;
	p2 =	por !p2, p0  }
0x20: {  	[sflag:s8] =	ssyncset.s32 @!p0 $0xFFFFF086;
	s6 =	sadd.s32 @!p0 s3, s7;
	s7 =	simm.s32 @!p0 $0x108  }
0x21: {  	s3 =	sadd.s32 s3, s9;
	s6 =	sadd.s32 @!p0 $0x88, s6;
	s7 =	simm.s32 @p2 $0x1082  }
0x22: {  	[simem:s7], [sflag:s8] =	dma.local @!p0 [hbm:s6], $0xF7A  }
0x23: {  	s9 =	sor.u32 $0xD0000000, s2;
	s6 =	simm.s32 $0x108;
	_ =	swait.ge @!p0 [sflag:s8], $0x0  }
0x24: {  	s3 =	sadd.s32 $0x88, s3;
	s6 =	simm.s32 @!p1 $0x1082;
	[sflag:s4] =	ssyncset.s32 $0xFFFFF086  }
0x25: {  	[simem:s6], [sflag:s4] =	dma.local [hbm:s3], $0xF7A  }
0x26: {  	[smem:$0x3F9E] =	sst s1;
	(tag) =	ssettag s2;
	_ =	strace s9  }
0x27: {  	s1 =	sld [smem:$0x3FAE]  }
0x28: {  	s2 =	sld [smem:$0x3FAF]  }
0x29: {  	s4 =	sld [smem:$0x3FB1]  }
0x2a: {  	p0 =	seq.s32 s5, $0x0;
	s5 =	sld [smem:$0x3FB2]  }
0x2b: {  	s6 =	sld [smem:$0x3FB3]  }
0x2c: {  	s7 =	sld [smem:$0x3FB4]  }
0x2d: {  	s3 =	simm.s32 $0x108;
	s8 =	sld [smem:$0x3FB5]  }
0x2e: {  	s3 =	simm.s32 @!p0 $0x1082;
	s9 =	sld [smem:$0x3FB6]  }
0x2f: {  	lr =	sadd.s32 s0, s3;
	s0 =	sld [smem:$0x3FAD]  }
0x30: {  	s3 =	sld [smem:$0x3FB0]  }
0x31: {  	[smem:$0x3FB9] =	sst s10  }
0x32: {  	s10 =	sld [smem:$0x3FB7];
	_ =	sdelay $0x3  }
0x33: {  	p0 =	seq.s32 s10, $0x1;
	s10 =	sld [smem:$0x3FB9];
	_ =	sdelay $0x3  }
0x34: {  	[smem:$0x3FB9] =	sst s10  }
0x35: {  	s10 =	sld [smem:$0x3FB8];
	_ =	sdelay $0x3  }
0x36: {  	p1 =	seq.s32 s10, $0x1;
	s10 =	sld [smem:$0x3FB9];
	_ =	sdelay $0x3  }
0x37: {  	[smem:$0x3FB9] =	sst s10  }
0x38: {  	s10 =	sld [smem:$0x3FBA]  }
0x39: {  	_ = 	snop;
	(pc) =	sbr.ind lr, $3  }
0x3a: {  	_ = 	snop  }
0x3b: {  	_ = 	snop  }
0x3c: {  	p2 =	seq.s32 s10, $0x1;
	s10 =	sld [smem:$0x3FB9]  }
0x3d: {  	_ =	shalt  }
0x3e: {  	_ =	shalt  }
0x3f: {  	_ =	shalt  }
0x40: {  	_ =	shalt  }
0x41: {  	_ =	shalt  }
0x42: {  	_ =	shalt  }
0x43: {  	_ =	shalt  }
0x44: {  	_ =	shalt  }
0x45: {  	_ =	shalt  }
0x46: {  	_ =	shalt  }
0x47: {  	_ =	shalt  }
0x48: {  	_ =	shalt  }
0x49: {  	_ =	shalt  }
0x4a: {  	_ =	shalt  }
0x4b: {  	_ =	shalt  }
0x4c: {  	_ =	shalt  }
0x4d: {  	_ =	shalt  }
0x4e: {  	_ =	shalt  }
0x4f: {  	_ =	shalt  }
0x50: {  	_ =	shalt  }
0x51: {  	_ =	shalt  }
0x52: {  	_ =	shalt  }
0x53: {  	_ =	shalt  }
0x54: {  	_ =	shalt  }
0x55: {  	_ =	shalt  }
0x56: {  	_ =	shalt  }
0x57: {  	_ =	shalt  }
0x58: {  	_ =	shalt  }
0x59: {  	_ =	shalt  }
0x5a: {  	_ =	shalt  }
0x5b: {  	_ =	shalt  }
0x5c: {  	_ =	shalt  }
0x5d: {  	_ =	shalt  }
0x5e: {  	_ =	shalt  }
0x5f: {  	_ =	shalt  }
0x60: {  	_ =	shalt  }
0x61: {  	_ =	shalt  }
0x62: {  	_ =	shalt  }
0x63: {  	_ =	shalt  }
0x64: {  	_ =	shalt  }
0x65: {  	_ =	shalt  }
0x66: {  	_ =	shalt  }
0x67: {  	_ =	shalt  }
0x68: {  	_ =	shalt  }
0x69: {  	_ =	shalt  }
0x6a: {  	_ =	shalt  }
0x6b: {  	_ =	shalt  }
0x6c: {  	_ =	shalt  }
0x6d: {  	_ =	shalt  }
0x6e: {  	_ =	shalt  }
0x6f: {  	_ =	shalt  }
0x70: {  	_ =	shalt  }
0x71: {  	_ =	shalt  }
0x72: {  	_ =	shalt  }
0x73: {  	_ =	shalt  }
0x74: {  	_ =	shalt  }
0x75: {  	_ =	shalt  }
0x76: {  	_ =	shalt  }
0x77: {  	_ =	shalt  }
0x78: {  	_ =	shalt  }
0x79: {  	_ =	shalt  }
0x7a: {  	_ =	shalt  }
0x7b: {  	_ =	shalt  }
0x7c: {  	_ =	shalt  }
0x7d: {  	_ =	shalt  }
0x7e: {  	_ =	shalt  }
0x7f: {  	_ =	shalt  }
0x80: {  	_ =	shalt  }
0x81: {  	_ =	shalt  }
0x82: {  	_ =	shalt  }
0x83: {  	_ =	shalt  }
0x84: {  	_ =	shalt  }
0x85: {  	_ =	shalt  }
0x86: {  	_ =	shalt  }
0x87: {  	_ =	shalt  }
.Lfunc_end0:
.L_simem_size_0:
called_computation.1_lowered:
.L_overlay_start_0:
0x88: {  	s2 =	sld [smem:$0x3FD9]  }
0x89: {  	s3 =	sld [smem:$0x3FFE];
	_ =	sdelay $0x1  }
0x8a: {  	s1 =	srdreg.scid  }
0x8b: {  	s0 =	sand.u32 $0x1, s1  }
0x8c: {  	s17 =	sshll.u32 s0, $0xA;
	s2 =	sadd.s32 s3, s2  }
0x8d: {  	s2 =	sadd.s32 s2, s17  }
0x8e: {  	[smem:$0x3FC5] =	sst s2  }
0x8f: {  	_ = 	snop  }
0x90: {  	s2 =	sld [smem:$0x3FD0];
	(tm) =	ssettm $0x1  }
0x91: {  	s18 =	sld [smem:$0x3FFB];
	_ =	sdelay $0x3  }
0x92: {  	_ =	strace s18  }
0x93: {  	s3 =	sld [smem:$0x3FFC];
	_ =	sdelay $0x3  }
0x94: {  	_ =	strace s3  }
0x95: {  	s3 =	sld [smem:$0x3FFD];
	_ =	sdelay $0x3  }
0x96: {  	_ =	strace s3  }
0x97: {  	_ =	strace $0x8FFFFFFF  }
0x98: {  	s19 =	sld [smem:$0x3FDB];
	_ =	sdelay $0x1  }
0x99: {  	s4 =	simm.s32 $_scs_section_size  }
0x9a: {  	s5 =	simm.s32 $_size__tile_overlayer_lowered;
	s6 =	simm.s32 $_tile_overlayer_lowered  }
0x9b: {  	s22 =	simm.s32 $0x1BFF;
	s21 =	sshll.u32 s6, $0x1;
	s3 =	sadd.s32 s4, s19  }
0x9c: {  	s7 =	simm.s32 $0x0;
	s20 =	sshll.u32 s5, $0x1;
	s5 =	sadd.s32 s21, s3  }
0x9d: {  	[timem:s7], [sflag:s22] =	dma.local [hbm:s5], s20  }
0x9e: {  	_ =	swait.ge [sflag:s22], s20  }
0x9f: {  	s4 =	ssub.s32 $0x0, s20;
	[sflag:s22] =	ssyncset.done $0x0  }
0xa0: {  	[sflag:s22] =	ssyncadd.s32 s4;
	_ =	sdelay $0x1  }
0xa1: {  	s23 =	simm.s32 $0x1B8B  }
0xa2: {  	_ =	swait.ge [sflag:s23], $0x1  }
0xa3: {  	[sflag:s23] =	ssyncset.done $0x0  }
0xa4: {  	s25 =	simm.s32 $0x1B8E;
	s24 =	sld [smem:$0x3FFE];
	[sflag:s23] =	ssyncadd.s32 $0xFFFFFFFF  }
0xa5: {  	s26 =	simm.s32 $execute0_lowered;
	[smem:$0x3FD2] =	sst s25  }
0xa6: {  	s5 =	sshll.u32 s26, $0x1;
	_ =	strace $0x80000046;
	[dreg:$0x1] =	wrdreg $0xFFFFFFFF  }
0xa7: {  	s28 =	simm.s32 $_size_execute0_lowered;
	s3 =	sadd.s32 s3, s5;
	[dreg:$0x0] =	wrdreg $0x0  }
0xa8: {  	s5 =	sshll.u32 s28, $0x1;
	[dreg:$0x2] =	wrdreg s3  }
0xa9: {  	[dreg:$0x3] =	wrdreg s5  }
0xaa: {  	[dreg:$0x4] =	wrdreg $0xC0  }
0xab: {  	_ =	task [dreg:s7], $0x5FFFF  }
0xac: {  	[dreg:$0x1] =	wrdreg $0xFFFFFFFF  }
0xad: {  	[dreg:$0x0] =	wrdreg $0x60  }
0xae: {  	[dreg:$0x2] =	wrdreg s24  }
0xaf: {  	[dreg:$0x3] =	wrdreg s2  }
0xb0: {  	[dreg:$0x4] =	wrdreg $0x9  }
0xb1: {  	_ =	task.clear_ibuf [dreg:s7], $0x5FFFF;
	_ =	strace $0x90000046  }
0xb2: {  	s29 =	simm.s32 $0x9;
	_ =	strace $0x80000048  }
0xb3: {  	_ =	swait.ge [sflag:s29], $0x1  }
0xb4: {  	[sflag:s29] =	ssyncadd.s32 $0xFFFFFFFF  }
0xb5: {  	_ =	strace $0x90000048  }
0xb6: {  	_ =	sfence  }
0xb7: {  	s30 =	sld [smem:$0x0];
	_ =	sdelay $0x2  }
0xb8: {  	s31 =	sshll.u32 s1, $0xD;
	s1 =	sshrl.u32 s1, $0x2  }
0xb9: {  	s3 =	sand.u32 $0x4000, s31;
	s1 =	sadd.s32 s1, s30  }
0xba: {  	s0 =	sor.u32 s3, s0;
	s1 =	sshll.u32 s1, $0x11  }
0xbb: {  	s0 =	sor.u32 s1, s0  }
0xbc: {  	s0 =	sadd.s32 $0x8F2B, s0  }
0xbd: {  	[sflag:s0] =	ssyncadd.remote.s32 $0x1  }
0xbe: {  	_ =	sfence.sel $0xFFFF  }
0xbf: {  	[dreg:$0x0] =	wrdreg $0xFFFFFFFF;
	(pc) =	sbr.abs _section_cstart, $3  }
0xc0: {  	[dreg:$0x1] =	wrdreg $0xFFFFFFFF  }
0xc1: {  	_ =	task.clear_ibuf [dreg:s7], $0x2FFFF;
	_ =	strace $0x9FFFFFFF  }
0xc2: {  	(tm) =	ssettm $0x7FFFFFFF  }
0xc3: {  	_ =	shalt  }
tec
execute0_lowered:
.L_overlay_start_1:
0x0: {  	(tag) =	ssettag $0x1  }
0x1: {  	s4 =	rddreg [dreg:$0x0];
	s1 =	srdreg.scid  }
0x2: {  	s0 =	stileid.u32;
	s5 =	rddreg [dreg:$0x1];
	s2 =	simm.s32 $0x0  }
0x3: {  	s9 =	simm.s32 $0x1;
	s3 =	sand.u32 $0x1, s1;
	s6 =	sshll.u32 s0, $0x1  }
0x4: {  	s10 =	simm.s32 $0x1900;
	s11 =	simm.s32 $0x0;
	s6 =	sor.u32 s3, s6  }
0x5: {  	s1 =	rddreg [dreg:$0x2];
	s8 =	ssub.s32 $0x2, s3;
	s7 =	smul.u32 $0x3200, s6  }
0x6: {  	[smem:$0x7FF] =	sst s2;
	s6 =	smul.u32 $0x320, s6;
	s31 =	sshrl.u32 s8, $0x1  }
0x7: {  	_ =	strace $0x80000047;
	s3 =	sadd.s32 $0x800, s4;
	s8 =	ssub.s32 s8, s31  }
0x8: {  	s7 =	sadd.s32 s7, s4;
	s4 =	sadd.s32 s5, s6;
	s6 =	smax.u32 s8, $0x1  }
0x9: {  	s8 =	simm.s32 $0x80;
	s5 =	sadd.s32 $0x1000, s7;
	s7 =	simm.s32 $0x2  }
.LBB2_1:
0xa: {  	[tilespmem:s2], [sflag:$0x2] =	stream.linear.gather [hbm4b:s4+s2], $0x1900, $0x38;
	[tilespmem:$0x1A900] =	vst v63  }
0xb: {  	_ =	swait.ge [sflag:s7], $0x1900  }
0xc: {  	[sflag:s7] =	ssyncset.done $0x0  }
0xd: {  	s12 =	simm.s32 $0x0;
	[sflag:s7] =	ssyncadd.s32 $0xFFFFE700  }
0xe: {  	[tilespmem:s10], [sflag:$0x1] =	stream.indirect.gather [hbm4b:s3+s8], $0x10, s12, s8, $0xb8;
	[tilespmem:$0x1A900] =	vst v63  }
0xf: {  	_ =	swait.ge [sflag:s9], $0x800  }
0x10: {  	s13 =	simm.s32 $0x1900;
	s12 =	simm.s32 $0x200;
	[sflag:s9] =	ssyncset.done $0x0  }
.LBB2_2:
0x11: {  	s14 =	sshra.s32 s12, $0x2  }
0x12: {  	[sflag:s9] =	ssyncadd.s32 $0xFFFFF800;
	s13 =	sadd.s32 $0x800, s13;
	p0 =	sne.s32 s12, $0x6200  }
0x13: {  	[tilespmem:s13], [sflag:$0x1] =	stream.indirect.gather [hbm4b:s3+s8], $0x10, s14, s8, $0xb8;
	[tilespmem:$0x1A900] =	vst v63  }
.Ltmp0:
0x14: {  	_ = 	snop;
	(pc) =	sbr.rel @p0 .LBB2_2-.Ltmp0, $4  }
0x15: {  	_ = 	snop  }
0x16: {  	s12 =	sadd.s32 $0x200, s12  }
0x17: {  	_ =	swait.ge [sflag:s9], $0x800  }
0x18: {  	[sflag:s9] =	ssyncset.done $0x0  }
0x19: {  	s11 =	sadd.s32 $0x1, s11  }
0x1a: {  	p0 =	sne.s32 s11, s6  }
.Ltmp1:
0x1b: {  	[sflag:s9] =	ssyncadd.s32 $0xFFFFF800;
	(pc) =	sbr.rel @p0 .LBB2_1-.Ltmp1, $4  }
0x1c: {  	[hbm4b:s5+s2] =	stream.linear.scatter [tilespmem:s10], [sflag:$0x2], $0x19000, $0x38;
	[tilespmem:$0x1A900] =	vst v63  }
0x1d: {  	_ =	swait.ge [sflag:s7], $0x19000  }
0x1e: {  	[sflag:s7] =	ssyncset.done $0x0  }
0x1f: {  	[sflag:s7] =	ssyncadd.s32 $0xFFFE7000  }
0x20: {  	_ =	sfence.sel $0x180000  }
0x21: {  	[bflag:$0x0] =	sbarrier.arrive $0xFFFF  }
0x22: {  	p0 =	sne.s32 s0, $0x0;
	_ =	strace $0x90000047  }
0x23: {  	s0 =	sadd.s32 @!p0 $0x100000, s1;
	[bflag:$0x2] =	sbarrier.arrive $0xFFFF  }
0x24: {  	[sflag:s0] =	ssyncadd.tile.s32 @!p0 $0x1;
	_ =	shalt  }
.Lfunc_end2:
_tile_overlayer_lowered:
.L_overlay_start_2:
0x25: {  	(tag) =	ssettag $0x2  }
0x26: {  	s0 =	rddreg [dreg:$0x0];
	s2 =	stileid.u32  }
0x27: {  	s1 =	rddreg [dreg:$0x1];
	p0 =	sne.s32 s2, $0x0  }
0x28: {  	s3 =	rddreg [dreg:$0x2];
	[bflag:$0x3] =	sbarrier.arrive $0xFFFF;
	s2 =	simm.s32 @!p0 $0x1C02  }
0x29: {  	[timem:s3], [sflag:s2] =	dma.local @!p0 [hbm:s0], s1  }
0x2a: {  	s0 =	simm.s32 @!p0 $0x2  }
0x2b: {  	_ =	swait.ge @!p0 [sflag:s0], s1  }
0x2c: {  	s1 =	ssub.s32 @!p0 $0x0, s1;
	[sflag:s0] =	ssyncset.done @!p0 $0x0  }
0x2d: {  	[sflag:s0] =	ssyncadd.s32 @!p0 s1  }
0x2e: {  	[bflag:$0x3] =	sbarrier.arrive $0xFFFF  }
0x2f: {  	_ =	shalt  }

// kernel: sparse-core-data-format-call.cloned.1.call-start
scs
called_computation_lowered:
.L_overlay_start_0:
0x0: {  	s2 =	sld [smem:$0x3FD9]  }
0x1: {  	s3 =	sld [smem:$0x3FFE];
	_ =	sdelay $0x1  }
0x2: {  	s1 =	srdreg.scid  }
0x3: {  	s0 =	sand.u32 $0x1, s1  }
0x4: {  	s18 =	sshll.u32 s0, $0xA;
	s2 =	sadd.s32 s3, s2  }
0x5: {  	s2 =	sadd.s32 s2, s18  }
0x6: {  	[smem:$0x3FC5] =	sst s2  }
0x7: {  	_ = 	snop  }
0x8: {  	s2 =	sld [smem:$0x3FD0];
	(tm) =	ssettm $0x1  }
0x9: {  	s19 =	sld [smem:$0x3FFB];
	_ =	sdelay $0x3  }
0xa: {  	_ =	strace s19  }
0xb: {  	s3 =	sld [smem:$0x3FFC];
	_ =	sdelay $0x3  }
0xc: {  	_ =	strace s3  }
0xd: {  	s3 =	sld [smem:$0x3FFD];
	_ =	sdelay $0x3  }
0xe: {  	_ =	strace s3  }
0xf: {  	_ =	strace $0x8FFFFFFF  }
0x10: {  	s20 =	sld [smem:$0x3FDB];
	_ =	sdelay $0x1  }
0x11: {  	s4 =	simm.s32 $_scs_section_size  }
0x12: {  	s5 =	simm.s32 $_size__tile_overlayer_lowered;
	s6 =	simm.s32 $_tile_overlayer_lowered  }
0x13: {  	s23 =	simm.s32 $0x1BFF;
	s22 =	sshll.u32 s6, $0x1;
	s3 =	sadd.s32 s4, s20  }
0x14: {  	s7 =	simm.s32 $0x0;
	s21 =	sshll.u32 s5, $0x1;
	s5 =	sadd.s32 s22, s3  }
0x15: {  	[timem:s7], [sflag:s23] =	dma.local [hbm:s5], s21  }
0x16: {  	_ =	swait.ge [sflag:s23], s21  }
0x17: {  	s4 =	ssub.s32 $0x0, s21;
	[sflag:s23] =	ssyncset.done $0x0  }
0x18: {  	[sflag:s23] =	ssyncadd.s32 s4;
	_ =	sdelay $0x1  }
0x19: {  	s24 =	simm.s32 $0x1B8B  }
0x1a: {  	_ =	swait.ge [sflag:s24], $0x1  }
0x1b: {  	[sflag:s24] =	ssyncset.done $0x0  }
0x1c: {  	s26 =	simm.s32 $0x1B8E;
	s25 =	sld [smem:$0x3FFE];
	[sflag:s24] =	ssyncadd.s32 $0xFFFFFFFF  }
0x1d: {  	s27 =	simm.s32 $execute0_lowered;
	[smem:$0x3FD2] =	sst s26  }
0x1e: {  	s5 =	sshll.u32 s27, $0x1;
	_ =	strace $0x80000049;
	[dreg:$0x1] =	wrdreg $0xFFFFFFFF  }
0x1f: {  	s28 =	simm.s32 $_size_execute0_lowered;
	s3 =	sadd.s32 s3, s5;
	[dreg:$0x0] =	wrdreg $0x0  }
0x20: {  	s5 =	sshll.u32 s28, $0x1;
	[dreg:$0x2] =	wrdreg s3  }
0x21: {  	[dreg:$0x3] =	wrdreg s5  }
0x22: {  	[dreg:$0x4] =	wrdreg $0xC0  }
0x23: {  	_ =	task [dreg:s7], $0x5FFFF  }
0x24: {  	[dreg:$0x1] =	wrdreg $0xFFFFFFFF  }
0x25: {  	[dreg:$0x0] =	wrdreg $0x60  }
0x26: {  	[dreg:$0x2] =	wrdreg s25  }
0x27: {  	[dreg:$0x3] =	wrdreg s2  }
0x28: {  	[dreg:$0x4] =	wrdreg $0x9  }
0x29: {  	_ =	task.clear_ibuf [dreg:s7], $0x5FFFF;
	_ =	strace $0x90000049  }
0x2a: {  	s29 =	simm.s32 $0x9;
	_ =	strace $0x8000004B  }
0x2b: {  	_ =	swait.ge [sflag:s29], $0x1  }
0x2c: {  	[sflag:s29] =	ssyncadd.s32 $0xFFFFFFFF  }
0x2d: {  	_ =	strace $0x9000004B  }
0x2e: {  	_ =	sfence  }
0x2f: {  	s30 =	sld [smem:$0x0];
	_ =	sdelay $0x2  }
0x30: {  	s31 =	sshll.u32 s1, $0xD;
	s1 =	sshrl.u32 s1, $0x2  }
0x31: {  	s3 =	sand.u32 $0x4000, s31;
	s1 =	sadd.s32 s1, s30  }
0x32: {  	s0 =	sor.u32 s3, s0;
	s1 =	sshll.u32 s1, $0x11  }
0x33: {  	s0 =	sor.u32 s1, s0  }
0x34: {  	s0 =	sadd.s32 $0x8F2B, s0  }
0x35: {  	[sflag:s0] =	ssyncadd.remote.s32 $0x1  }
0x36: {  	_ =	sfence.sel $0xFFFF  }
0x37: {  	[dreg:$0x0] =	wrdreg $0xFFFFFFFF;
	(pc) =	sbr.abs _section_cstart, $3  }
0x38: {  	[dreg:$0x1] =	wrdreg $0xFFFFFFFF  }
0x39: {  	_ =	task.clear_ibuf [dreg:s7], $0x2FFFF;
	_ =	strace $0x9FFFFFFF  }
0x3a: {  	(tm) =	ssettm $0x7FFFFFFF  }
0x3b: {  	_ =	shalt  }
tec
execute0_lowered:
.L_overlay_start_1:
0x0: {  	(tag) =	ssettag $0x1  }
0x1: {  	s0 =	srdreg.scid;
	s6 =	rddreg [dreg:$0x0]  }
0x2: {  	s3 =	rddreg [dreg:$0x1];
	s1 =	sshll.u32 s0, $0x4  }
0x3: {  	s5 =	simm.s32 $0x1;
	s0 =	stileid.u32;
	s1 =	sand.u32 $0x10, s1  }
0x4: {  	s31 =	simm.s32 $0x2;
	s16 =	simm.s32 $0x0;
	s1 =	sor.u32 s0, s1  }
0x5: {  	s8 =	simm.s32 $0x8000;
	s18 =	simm.s32 $0x0;
	s2 =	sshll.u32 s1, $0x7  }
0x6: {  	s17 =	simm.s32 $0x0;
	s9 =	simm.s32 $0x0;
	s4 =	ssub.s32 $0x1000, s2  }
0x7: {  	s10 =	simm.s32 $0x0;
	s11 =	simm.s32 $0x0;
	s30 =	sand.u32 $0xF80, s4  }
0x8: {  	s12 =	simm.s32 $0x0;
	s13 =	simm.s32 $0x0;
	p0 =	sne.s32 s30, $0x0  }
.Ltmp0:
0x9: {  	s7 =	sshrl.u32 s4, $0xC;
	s5 =	simm.s32 @!p0 $0x0;
	(pc) =	sbr.rel .LBB1_1-.Ltmp0, $4  }
0xa: {  	s15 =	simm.s32 $0x0;
	s1 =	rddreg [dreg:$0x2];
	s5 =	sadd.s32 s5, s7  }
0xb: {  	_ =	strace $0x8000004A;
	s4 =	simm.s32 $0x1;
	s5 =	smul.u32 $0x190, s5  }
0xc: {  	s6 =	sadd.s32 $0x800, s6;
	s14 =	smov.u32 s2;
	[sflag:s4] =	ssyncpa.u1 $0x0  }
0xd: {  	[sflag:s31] =	ssyncpa.u1 $0x0;
	p0 =	por $0x0, $0x0;
	s7 =	sor.u32 $0x1, s5  }
.LBB1_4:
0xe: {  	s23 =	sshra.s32 s23, $0x2;
	s30 =	sshll.u32 s9, $0xC  }
0xf: {  	p1 =	sgt.s32 s10, $0x31;
	s24 =	smov.u32 s10;
	s25 =	sshra.s32 s10, $0x1F  }
0x10: {  	s26 =	sshll.u32 s11, $0x3;
	s28 =	smov.u32 s11;
	s29 =	sshra.s32 s11, $0x1F  }
0x11: {  	s22 =	sadd.s32 s23, s22;
	s24 =	simm.s32 @!p1 $0x31;
	s25 =	sand.u32 s25, s10  }
0x12: {  	s23 =	sand.u32 $0xFFFF8000, s30;
	s27 =	sand.u32 $0xFFFFFC00, s26;
	p1 =	sgt.s32 s9, $0x368  }
0x13: {  	s31 =	sand.u32 s29, s11;
	s29 =	sshll.u32 s9, $0x7;
	s30 =	sshra.s32 s9, $0x1F  }
0x14: {  	[tilespmem:s21+$0x2040 ss:$0x81] =	vst.msk $0xffff, v4;
	s24 =	ssub.s32 s24, s25;
	s23 =	sadd.s32 s27, s23;
	s27 =	smov.u32 s9  }
0x15: {  	[tilespmem:s21+$0x2850 ss:$0x81] =	vst.msk $0xffff, v3;
	s29 =	sand.u32 $0x380, s29;
	s25 =	sadd.s32 $0xFFFFFFCF, s24;
	s27 =	simm.s32 @!p1 $0x368  }
0x16: {  	v5 =	vld [tilespmem:s20+$0xFFFFFFD0];
	[tilespmem:s21+$0x3060 ss:$0x81] =	vst.msk $0xffff, v2;
	p1 =	sgt.s32 s11, $0xF80;
	s23 =	sshrl.u32 s23, $0xC;
	s24 =	ssub.s32 $0x32, s24  }
0x17: {  	v58 =	vld [tilespmem:s20+$0xFFFFFFE0];
	[tilespmem:s21+$0x0 ss:$0x81] =	vst.msk $0xffff, v1;
	s28 =	simm.s32 @!p1 $0xF80;
	p1 =	sgt.s32 s25, $0x0;
	s21 =	smulhi.u32 $0x418938, s23  }
0x18: {  	v59 =	vld [tilespmem:s20+$0xFFFFFFF0];
	s25 =	ssub.s32 s28, s31;
	s28 =	sand.u32 s30, s9;
	s24 =	simm.s32 @p1 $0x0  }
0x19: {  	v60 =	vld [tilespmem:s20+$0x0];
	s27 =	ssub.s32 s27, s28;
	s31 =	sadd.s32 $0xFFFFF080, s25;
	s25 =	ssub.s32 $0x1000, s25  }
0x1a: {  	v61 =	vld [tilespmem:s20+$0x10];
	[tilespmem:s22+$0x3870 ss:$0x81] =	vst.msk $0xffff, v0;
	s21 =	smul.u32 $0x3E8, s21;
	s28 =	sand.u32 $0x7, s11;
	p1 =	sgt.s32 s31, $0x7F  }
0x1b: {  	v62 =	vld [tilespmem:s20+$0x20];
	[tilespmem:s22+$0x810 ss:$0x81] =	vst.msk $0xffff, v5;
	s30 =	sadd.s32 $0xFFFFFC98, s27;
	s31 =	sand.u32 $0x78, s11;
	s25 =	simm.s32 @p1 $0x0  }
0x1c: {  	v63 =	vld [tilespmem:s20+$0xFFFFFFC0];
	[tilespmem:s22+$0x1020 ss:$0x81] =	vst.msk $0xffff, v58;
	p1 =	sgt.s32 s30, $0x7F;
	s30 =	sand.u32 $0xC00, s26;
	s24 =	smul.u32 s25, s24  }
0x1d: {  	[tilespmem:s22+$0x1830 ss:$0x81] =	vst.msk $0xffff, v59;
	s26 =	ssub.s32 $0x3E8, s27;
	s20 =	sor.u32 s31, s30;
	s31 =	smul.u32 $0x7D000, s10  }
0x1e: {  	[tilespmem:s22+$0x2040 ss:$0x81] =	vst.msk $0xffff, v60;
	s21 =	ssub.s32 s23, s21;
	s26 =	simm.s32 @p1 $0x0;
	s20 =	sor.u32 s29, s20  }
0x1f: {  	[tilespmem:s22+$0x2850 ss:$0x81] =	vst.msk $0xffff, v61;
	s26 =	smul.u32 s26, s24;
	s20 =	sshrl.u32 s20, $0x3;
	s27 =	sadd.s32 s3, s31  }
0x20: {  	[tilespmem:s22+$0x3060 ss:$0x81] =	vst.msk $0xffff, v62;
	s21 =	sshll.u32 s21, $0x9;
	s29 =	sshll.u32 s28, $0x12;
	s20 =	sadd.s32 s20, s27  }
0x21: {  	[tilespmem:s22+$0x0 ss:$0x81] =	vst.msk $0xffff, v63;
	s31 =	sor.u32 $0x400, s29;
	s30 =	sand.u32 $0x3FFFFFFF, s26;
	s20 =	sadd.s32 s21, s20  }
0x22: {  	[hbm4b:s20+s31] =	stream.strided.scatter [tilespmem:s19], [sflag:$0x2], s30, s8, s31, $0x20;
	[tilespmem:$0x10100] =	vst v63  }
.LBB1_5:
0x23: {  	p1 =	slt.u32 s15, $0x2  }
0x24: {  	p2 =	sgt.s32 @!p1 s18, $0x31  }
0x25: {  	s19 =	smov.u32 s18;
	s20 =	sshra.s32 @!p1 s18, $0x1F;
	p2 =	por !p2, p1  }
0x26: {  	s18 =	sand.u32 @!p1 s20, s18;
	s19 =	simm.s32 @p2 $0x31  }
0x27: {  	p3 =	sgt.s32 @!p1 s16, $0x368;
	s18 =	ssub.s32 @!p1 s19, s18  }
0x28: {  	p4 =	sgt.s32 @!p1 s17, $0xF80;
	s21 =	sshra.s32 @!p1 s17, $0x1F;
	s19 =	sadd.s32 @!p1 $0xFFFFFFCF, s18  }
0x29: {  	s20 =	smov.u32 s16;
	p2 =	sgt.s32 @!p1 s19, $0x0;
	s19 =	sshra.s32 @!p1 s16, $0x1F  }
0x2a: {  	p4 =	por !p4, p1;
	s16 =	sand.u32 @!p1 s19, s16;
	s19 =	smov.u32 s17  }
0x2b: {  	p3 =	por !p3, p1;
	s17 =	sand.u32 @!p1 s21, s17;
	s19 =	simm.s32 @p4 $0xF80  }
0x2c: {  	s20 =	simm.s32 @p3 $0x368;
	s18 =	ssub.s32 @!p1 $0x32, s18;
	s17 =	ssub.s32 @!p1 s19, s17  }
0x2d: {  	p2 =	por !p2, p1;
	s16 =	ssub.s32 @!p1 s20, s16;
	s20 =	sadd.s32 @!p1 $0xFFFFF080, s17  }
0x2e: {  	s18 =	simm.s32 @!p2 $0x0;
	p3 =	sgt.s32 @!p1 s20, $0x7F  }
0x2f: {  	s19 =	sadd.s32 @!p1 $0xFFFFFC98, s16;
	s17 =	ssub.s32 @!p1 $0x1000, s17;
	p3 =	por !p3, p1  }
0x30: {  	p2 =	sgt.s32 @!p1 s19, $0x7F;
	s19 =	sadd.s32 $0x80, s12;
	s17 =	simm.s32 @!p3 $0x0  }
0x31: {  	p3 =	sgt.s32 s19, $0x3E7;
	s17 =	smul.u32 @!p1 s17, s18;
	s18 =	simm.s32 $0x1  }
0x32: {  	s16 =	ssub.s32 @!p1 $0x3E8, s16;
	p2 =	por !p2, p1;
	s18 =	simm.s32 @!p3 $0x0  }
0x33: {  	s21 =	smov.u32 s14;
	s16 =	simm.s32 @!p2 $0x0;
	s20 =	sadd.s32 s18, s13  }
0x34: {  	s16 =	smul.u32 @!p1 s16, s17;
	s17 =	sadd.s32 $0x1000, s14;
	p2 =	sgt.s32 s20, $0x31  }
0x35: {  	p0 =	por !p0, !p0;
	s22 =	simm.s32 @!p1 $0x2;
	s21 =	smov.u32 @p2 s17  }
0x36: {  	s19 =	simm.s32 @p3 $0x0;
	s20 =	simm.s32 @p2 $0x0;
	p2 =	sgt.s32 s21, $0xFFF  }
0x37: {  	s18 =	smov.u32 s10;
	s21 =	smov.u32 @p2 s2;
	p2 =	sne.s32 s15, s7  }
.Ltmp1:
0x38: {  	s10 =	smov.u32 s13;
	s16 =	sand.u32 @!p1 $0x3FFFFFFF, s16;
	(pc) =	sbr.rel @!p2 .LBB1_6-.Ltmp1, $4  }
0x39: {  	s17 =	smov.u32 s11;
	s11 =	smov.u32 s14;
	_ =	swait.ge @!p1 [sflag:s22], s16  }
0x3a: {  	s23 =	ssub.s32 @!p1 $0x0, s16;
	s16 =	smov.u32 s9;
	s9 =	smov.u32 s12  }
0x3b: {  	s12 =	smov.u32 s19;
	s13 =	smov.u32 s20;
	[sflag:s22] =	ssyncset.done @!p1 $0x0  }
0x3c: {  	s15 =	sadd.s32 $0x1, s15;
	[sflag:s22] =	ssyncadd.s32 @!p1 s23;
	s14 =	smov.u32 s21  }
.LBB1_1:
0x3d: {  	p1 =	sge.u32 s15, s5  }
0x3e: {  	s19 =	sshll.u32 @!p1 s13, $0xA  }
0x3f: {  	s20 =	sshll.u32 @!p1 s12, $0x3;
	s19 =	sand.u32 @!p1 $0xFFFFE000, s19  }
0x40: {  	s19 =	sadd.s32 @!p1 s19, s20  }
0x41: {  	s19 =	sshrl.u32 @!p1 s19, $0xA  }
0x42: {  	s20 =	smulhi.u32 @!p1 $0x4924925, s19  }
0x43: {  	s21 =	sshll.u32 @!p1 s13, $0x7;
	s23 =	smul.u32 @!p1 $0x1C00, s14  }
0x44: {  	s22 =	sand.u32 @!p1 $0x78, s12;
	s21 =	sand.u32 @!p1 $0x380, s21;
	s20 =	smul.u32 @!p1 $0x38, s20  }
0x45: {  	s31 =	sadd.s32 $0xFFFFFFFF, s15;
	s21 =	sor.u32 @!p1 s22, s21;
	s22 =	sadd.s32 @!p1 s6, s23  }
0x46: {  	s21 =	sshrl.u32 @!p1 s21, $0x3;
	s19 =	ssub.s32 @!p1 s19, s20;
	s20 =	sxor.u32 @!p1 $0xFFFFFFFF, s15  }
0x47: {  	s21 =	sadd.s32 @!p1 s21, s22;
	s22 =	sand.u32 @!p1 $0x7, s12;
	s20 =	sshll.u32 @!p1 s20, $0xE  }
0x48: {  	s22 =	sshll.u32 @!p1 s22, $0x12;
	s19 =	sshll.u32 @!p1 s19, $0x7;
	s20 =	sand.u32 @!p1 $0x4000, s20  }
0x49: {  	s19 =	sadd.s32 @!p1 s19, s21;
	s21 =	sor.u32 @!p1 $0x80, s22;
	s22 =	simm.s32 @!p1 $0xE000  }
0x4a: {  	[tilespmem:s20], [sflag:$0x1] =	stream.strided.gather @!p1 [hbm4b:s19+s21], $0x4000, s22, s21, $0x38;
	[tilespmem:$0x10100] =	vst v63  }
0x4b: {  	p1 =	sge.u32 s31, s5  }
.Ltmp2:
0x4c: {  	_ = 	snop;
	(pc) =	sbr.rel @p1 .LBB1_5-.Ltmp2, $1  }
0x4d: {  	_ =	sdelay $0x3  }
0x4e: {  	s19 =	simm.s32 $0x1  }
0x4f: {  	_ =	swait.ge [sflag:s4], $0x4000;
	s19 =	simm.s32 @!p0 $0x0  }
0x50: {  	[sflag:s4] =	ssyncset.done $0x0;
	s20 =	sshll.u32 s19, $0xE  }
0x51: {  	[sflag:s4] =	ssyncadd.s32 $0xFFFFC000;
	s20 =	sor.u32 $0x40, s20  }
0x52: {  	s19 =	smul.u32 $0x10200, s19;
	v0 =	vld [tilespmem:s20+$0x30]  }
0x53: {  	v1 =	vld [tilespmem:s20+$0xFFFFFFD0]  }
0x54: {  	s19 =	sshrl.u32 s19, $0x2;
	v5 =	vld [tilespmem:s20+$0xFFFFFFE0]  }
0x55: {  	v6 =	vld [tilespmem:s20+$0xFFFFFFF0];
	s22 =	sor.u32 $0x8000, s19  }
0x56: {  	s31 =	sand.u32 $0x1, s15;
	v4 =	vld [tilespmem:s20+$0x0];
	s21 =	sadd.s32 $0x0, s22  }
0x57: {  	v3 =	vld [tilespmem:s20+$0x10];
	s19 =	smul.u32 $0x10200, s31;
	[tilespmem:s21+$0x3870 ss:$0x81] =	vst.msk $0xffff, v0  }
0x58: {  	v2 =	vld [tilespmem:s20+$0x20];
	[tilespmem:s21+$0x810 ss:$0x81] =	vst.msk $0xffff, v1  }
0x59: {  	s19 =	sshrl.u32 s19, $0x2;
	v1 =	vld [tilespmem:s20+$0xFFFFFFC0];
	[tilespmem:s21+$0x1020 ss:$0x81] =	vst.msk $0xffff, v5;
	s20 =	sadd.s32 $0x80, s20  }
0x5a: {  	s23 =	simm.s32 $0x4;
	s24 =	simm.s32 $0x8;
	s19 =	sor.u32 $0x8000, s19;
	[tilespmem:s21+$0x1830 ss:$0x81] =	vst.msk $0xffff, v6;
	v0 =	vld [tilespmem:s20+$0x30]  }
.LBB1_3:
0x5b: {  	p1 =	sne.s32 s24, $0x1FC;
	v5 =	vld [tilespmem:s20+$0xFFFFFFD0];
	[tilespmem:s21+$0x2040 ss:$0x81] =	vst.msk $0xffff, v4  }
0x5c: {  	v6 =	vld [tilespmem:s20+$0xFFFFFFE0];
	[tilespmem:s21+$0x2850 ss:$0x81] =	vst.msk $0xffff, v3  }
0x5d: {  	s25 =	sshra.s32 s23, $0x2;
	s23 =	smov.u32 s24;
	v7 =	vld [tilespmem:s20+$0xFFFFFFF0];
	[tilespmem:s21+$0x3060 ss:$0x81] =	vst.msk $0xffff, v2  }
.Ltmp3:
0x5e: {  	v4 =	vld [tilespmem:s20+$0x0];
	[tilespmem:s21+$0x0 ss:$0x81] =	vst.msk $0xffff, v1;
	s21 =	sadd.s32 s25, s22;
	(pc) =	sbr.rel @p1 .LBB1_3-.Ltmp3, $4  }
0x5f: {  	v3 =	vld [tilespmem:s20+$0x10];
	[tilespmem:s21+$0x3870 ss:$0x81] =	vst.msk $0xffff, v0  }
0x60: {  	[tilespmem:s21+$0x810 ss:$0x81] =	vst.msk $0xffff, v5;
	v2 =	vld [tilespmem:s20+$0x20]  }
0x61: {  	v1 =	vld [tilespmem:s20+$0xFFFFFFC0];
	[tilespmem:s21+$0x1020 ss:$0x81] =	vst.msk $0xffff, v6;
	s20 =	sadd.s32 $0x80, s20  }
0x62: {  	s24 =	sadd.s32 $0x4, s24;
	v0 =	vld [tilespmem:s20+$0x30];
	[tilespmem:s21+$0x1830 ss:$0x81] =	vst.msk $0xffff, v7  }
.Ltmp4:
0x63: {  	_ = 	snop;
	(pc) =	sbr.rel .LBB1_4-.Ltmp4, $1  }
0x64: {  	_ =	sdelay $0x3  }
.LBB1_6:
0x65: {  	_ =	sfence.sel $0x180000  }
0x66: {  	s2 =	simm.s32 $0x1;
	[bflag:$0x0] =	sbarrier.arrive $0xFFFF  }
0x67: {  	s31 =	simm.s32 $0x2;
	[sflag:s2] =	ssyncpa.u1 $0x1  }
0x68: {  	[sflag:s31] =	ssyncpa.u1 $0x1  }
0x69: {  	p0 =	sne.s32 s0, $0x0;
	_ =	strace $0x9000004A  }
0x6a: {  	s0 =	sadd.s32 @!p0 $0x100000, s1;
	[bflag:$0x2] =	sbarrier.arrive $0xFFFF  }
0x6b: {  	[sflag:s0] =	ssyncadd.tile.s32 @!p0 $0x1;
	_ =	shalt  }
.Lfunc_end1:
_tile_overlayer_lowered:
.L_overlay_start_2:
0x6c: {  	(tag) =	ssettag $0x2  }
0x6d: {  	s0 =	rddreg [dreg:$0x0];
	s2 =	stileid.u32  }
0x6e: {  	s1 =	rddreg [dreg:$0x1];
	p0 =	sne.s32 s2, $0x0  }
0x6f: {  	s3 =	rddreg [dreg:$0x2];
	[bflag:$0x3] =	sbarrier.arrive $0xFFFF;
	s2 =	simm.s32 @!p0 $0x1C01  }
0x70: {  	[timem:s3], [sflag:s2] =	dma.local @!p0 [hbm:s0], s1  }
0x71: {  	s0 =	simm.s32 @!p0 $0x1  }
0x72: {  	_ =	swait.ge @!p0 [sflag:s0], s1  }
0x73: {  	s1 =	ssub.s32 @!p0 $0x0, s1;
	[sflag:s0] =	ssyncset.done @!p0 $0x0  }
0x74: {  	[sflag:s0] =	ssyncadd.s32 @!p0 s1  }
0x75: {  	[bflag:$0x3] =	sbarrier.arrive $0xFFFF  }
0x76: {  	_ =	shalt  }

</sc_bundles>
